<compile_context>
chip_gen: v7x
topology: tpu7x:2x2x1
jax: 0.10.2.dev20260603
libtpu: 0.0.44.dev20260713+nightly
codegen_flags: <defaults>
</compile_context>

<pallas_src>
import functools

import jax
import jax.numpy as jnp
import numpy as np
from jax import lax
from jax.experimental import pallas as pl
from jax.experimental.pallas import tpu as pltpu
from jax.experimental.pallas import tpu_sc as plsc

VOCAB = 1000000
D = 128
B = 16384
NC = 2
NS = 16
NW = NC * NS
B_PER_W = B // NW
CHUNK = 128
N_CHUNKS = B_PER_W // CHUNK


def _sc_gather_sum(emb_table, idx0, idx1):
  mesh = plsc.VectorSubcoreMesh(core_axis_name="c", subcore_axis_name="s")

  @functools.partial(
      pl.kernel,
      out_type=jax.ShapeDtypeStruct((B, D), jnp.float32),
      mesh=mesh,
      scratch_types=[
          pltpu.VMEM((CHUNK,), jnp.int32),
          pltpu.VMEM((CHUNK,), jnp.int32),
          pltpu.VMEM((CHUNK,), jnp.int32),
          pltpu.VMEM((CHUNK,), jnp.int32),
          pltpu.VMEM((CHUNK, D), jnp.float32),
          pltpu.VMEM((CHUNK, D), jnp.float32),
          pltpu.VMEM((CHUNK, D), jnp.float32),
          pltpu.VMEM((CHUNK, D), jnp.float32),
          pltpu.VMEM((CHUNK, D), jnp.float32),
          pltpu.VMEM((CHUNK, D), jnp.float32),
          pltpu.SemaphoreType.DMA,
          pltpu.SemaphoreType.DMA,
          pltpu.SemaphoreType.DMA,
          pltpu.SemaphoreType.DMA,
          pltpu.SemaphoreType.DMA,
          pltpu.SemaphoreType.DMA,
      ],
  )
  def k(table_hbm, idx0_hbm, idx1_hbm, out_hbm,
        i0a, i0b, i1a, i1b, r0a, r0b, r1a, r1b, sm_a, sm_b,
        ga0, ga1, gb0, gb1, wa, wb_sem):
    idx0_v = (i0a, i0b)
    idx1_v = (i1a, i1b)
    rows0 = (r0a, r0b)
    rows1 = (r1a, r1b)
    sums = (sm_a, sm_b)
    gsem0 = (ga0, gb0)
    gsem1 = (ga1, gb1)
    wsems = (wa, wb_sem)
    wid = lax.axis_index("s") * NC + lax.axis_index("c")
    base_w = wid * B_PER_W

    def start_gathers(g):
      slot = g % 2
      base = base_w + g * CHUNK
      pltpu.sync_copy(idx0_hbm.at[pl.ds(base, CHUNK)], idx0_v[slot])
      pltpu.sync_copy(idx1_hbm.at[pl.ds(base, CHUNK)], idx1_v[slot])
      c0 = pltpu.async_copy(table_hbm.at[idx0_v[slot]], rows0[slot],
                            gsem0[slot])
      c1 = pltpu.async_copy(table_hbm.at[idx1_v[slot]], rows1[slot],
                            gsem1[slot])
      return (c0, c1)

    cps = [start_gathers(0)]
    wbs = [None, None]
    for g in range(N_CHUNKS):
      slot = g % 2
      if g + 1 < N_CHUNKS:
        cps.append(start_gathers(g + 1))
      cps[g][0].wait()
      cps[g][1].wait()
      r0 = rows0[slot]
      r1 = rows1[slot]
      sbuf = sums[slot]
      if wbs[slot] is not None:
        wbs[slot].wait()

      def add_body(s, c2, r0=r0, r1=r1, sbuf=sbuf):
        for c in range(D // 16):
          sl = pl.ds(c * 16, 16)
          sbuf[s, sl] = r0[s, sl] + r1[s, sl]
        return c2

      lax.fori_loop(0, CHUNK, add_body, 0, unroll=False)
      wbs[slot] = pltpu.async_copy(
          sbuf, out_hbm.at[pl.ds(base_w + g * CHUNK, CHUNK)], wsems[slot])
    for wb in wbs:
      if wb is not None:
        wb.wait()

  return k(emb_table, idx0, idx1)


BLK = 4096


def _mlp_body(s_ref, w1t_ref, b1_ref, w2t_ref, b2_ref, o_ref):
  s = s_ref[...]
  w1t = w1t_ref[...]
  ht = lax.dot_general(w1t, s, (((1,), (1,)), ((), ())),
                       preferred_element_type=jnp.float32)
  ht = jnp.maximum(ht + b1_ref[...], 0.0)
  zt = lax.dot_general(w2t_ref[...], ht, (((1,), (0,)), ((), ())),
                       preferred_element_type=jnp.float32)
  zt = zt + b2_ref[0, 0]
  o_ref[...] = jnp.maximum(jax.nn.sigmoid(zt), 0.0)


def _tc_mlp(s, W1t, b1, W2t, b2):
  grid = (B // BLK,)
  return pl.pallas_call(
      _mlp_body,
      grid=grid,
      in_specs=[
          pl.BlockSpec((BLK, D), lambda i: (i, 0)),
          pl.BlockSpec((16, D), lambda i: (0, 0)),
          pl.BlockSpec((16, 1), lambda i: (0, 0)),
          pl.BlockSpec((1, 16), lambda i: (0, 0)),
          pl.BlockSpec((1, 1), lambda i: (0, 0)),
      ],
      out_specs=pl.BlockSpec((1, BLK), lambda i: (0, i)),
      out_shape=jax.ShapeDtypeStruct((1, B), jnp.float32),
  )(s, W1t, b1, W2t, b2)


def kernel(input_tensor, emb_table, W1, b1, W2, b2):
  idxT = input_tensor.astype(jnp.int32).T
  s = _sc_gather_sum(emb_table, idxT[0], idxT[1])
  out = _tc_mlp(s, 0.5 * W1.T, b1.reshape(16, 1), W2.reshape(1, 16),
                b2.reshape(1, 1))
  return out.reshape(B, 1)

# --- scband reference (transcript-rebuilt; emitter-appended) ---
"""Pipeline reference for scband-irn2vec-68685116997789 (READ-ONLY COPY).

The authoritative reference and input builder live on the scoring server;
editing this copy changes nothing except your own understanding.
"""

import jax, jax.numpy as jnp
import numpy as np

VOCAB = 1000000
EMBED_DIM = 128
BATCH = 16384
INPUT_LEN = 2

def setup_inputs(seed: int = 0) -> dict:
    key = jax.random.key(seed)
    k_idx, k_emb, k_w1, k_b1, k_w2, k_b2 = jax.random.split(key, 6)
    input_tensor = jax.random.randint(k_idx, (BATCH, INPUT_LEN), 0, VOCAB, dtype=jnp.int64 if jax.config.jax_enable_x64 else jnp.int32)
    emb_table = jax.random.normal(k_emb, (VOCAB, EMBED_DIM), dtype=jnp.float32) * 0.05
    W1 = jax.random.normal(k_w1, (EMBED_DIM, 16), dtype=jnp.float32) * (1.0 / np.sqrt(EMBED_DIM))
    b1 = jnp.zeros((16,), dtype=jnp.float32)
    W2 = jax.random.normal(k_w2, (16, 1), dtype=jnp.float32) * (1.0 / np.sqrt(16))
    b2 = jnp.zeros((1,), dtype=jnp.float32)
    return {"input_tensor": input_tensor, "emb_table": emb_table, "W1": W1, "b1": b1, "W2": W2, "b2": b2}

def reference(input_tensor, emb_table, W1, b1, W2, b2):
    # Embedding lookup: [B, L] -> [B, L, D]
    x = jnp.take(emb_table, input_tensor, axis=0)
    # GlobalAveragePooling1D over sequence dim
    x = jnp.mean(x, axis=1)
    # Dense(16, relu)
    x = jax.nn.relu(x @ W1 + b1)
    # Dense(1, sigmoid)
    x = jax.nn.sigmoid(x @ W2 + b2)
    # final relu
    return jax.nn.relu(x)

if __name__ == "__main__":
    import jax
    _d = setup_inputs()
    print(jax.jit(kernel)(*tuple(_d.values())))

</pallas_src>

<mosaic_0001>
#map = affine_map<(d0, d1) -> (0, 0)>
#map1 = affine_map<(d0, d1) -> (0)>
module attributes {stable_mosaic.version = 14 : i64} {
  func.func @k(%arg0: i32, %arg1: i32, %arg2: memref<1000000x128xf32, #tpu.memory_space<hbm>>, %arg3: memref<16384xi32, #tpu.memory_space<hbm>>, %arg4: memref<16384xi32, #tpu.memory_space<hbm>>, %arg5: memref<16384x128xf32, #tpu.memory_space<hbm>>, %arg6: memref<128xi32, #tpu.memory_space<vmem>>, %arg7: memref<128xi32, #tpu.memory_space<vmem>>, %arg8: memref<128xi32, #tpu.memory_space<vmem>>, %arg9: memref<128xi32, #tpu.memory_space<vmem>>, %arg10: memref<128x128xf32, #tpu.memory_space<vmem>>, %arg11: memref<128x128xf32, #tpu.memory_space<vmem>>, %arg12: memref<128x128xf32, #tpu.memory_space<vmem>>, %arg13: memref<128x128xf32, #tpu.memory_space<vmem>>, %arg14: memref<128x128xf32, #tpu.memory_space<vmem>>, %arg15: memref<128x128xf32, #tpu.memory_space<vmem>>, %arg16: memref<!tpu.dma_semaphore, #tpu.memory_space<semaphore_mem>>, %arg17: memref<!tpu.dma_semaphore, #tpu.memory_space<semaphore_mem>>, %arg18: memref<!tpu.dma_semaphore, #tpu.memory_space<semaphore_mem>>, %arg19: memref<!tpu.dma_semaphore, #tpu.memory_space<semaphore_mem>>, %arg20: memref<!tpu.dma_semaphore, #tpu.memory_space<semaphore_mem>>, %arg21: memref<!tpu.dma_semaphore, #tpu.memory_space<semaphore_mem>>) attributes {dimension_semantics = [#tpu.dimension_semantics<core_parallel>, #tpu.dimension_semantics<subcore_parallel>], iteration_bounds = array<i64: 2, 16>, scalar_prefetch = 0 : i64, scratch_operands = 16 : i64, tpu.core_type = #tpu.core_type<sc_vector_subcore>, window_params = [{transform_indices = #map}, {transform_indices = #map1}, {transform_indices = #map1}, {transform_indices = #map}]} {
    %mul3A = arith.constant 2 : i32
    %mul3A_0 = arith.muli %arg1, %mul3A : i32
    %add3A = arith.addi %mul3A_0, %arg0 : i32
    %mul3A_1 = arith.constant 512 : i32
    %mul3A_2 = arith.muli %add3A, %mul3A_1 : i32
    %add3A_3 = arith.constant 0 : i32
    %add3A_4 = arith.addi %mul3A_2, %add3A_3 : i32
    "tpu.region"() ({
      %run_scoped3A = tpu.sem_alloc : memref<!tpu.dma_semaphore, #tpu.memory_space<semaphore_mem>>
      %dma_start3A_120 = tpu.memref_slice %arg3[%add3A_4] : memref<16384xi32, #tpu.memory_space<hbm>> -> memref<128xi32, #tpu.memory_space<hbm>>
      %dma_start3A_121 = tpu.memref_slice %arg3[%add3A_4] : memref<16384xi32, #tpu.memory_space<hbm>> -> memref<128xi32, #tpu.memory_space<hbm>>
      tpu.enqueue_dma source(%dma_start3A_121 : memref<128xi32, #tpu.memory_space<hbm>>) target(%arg6 : memref<128xi32, #tpu.memory_space<vmem>>) target_semaphore(%run_scoped3A : memref<!tpu.dma_semaphore, #tpu.memory_space<semaphore_mem>>)
      %dma_wait3A_122 = tpu.memref_slice %arg3[%add3A_4] : memref<16384xi32, #tpu.memory_space<hbm>> -> memref<128xi32, #tpu.memory_space<hbm>>
      %dma_wait3A_123 = tpu.memref_slice %arg3[%add3A_4] : memref<16384xi32, #tpu.memory_space<hbm>> -> memref<128xi32, #tpu.memory_space<hbm>>
      tpu.wait_dma2 semaphore(%run_scoped3A : memref<!tpu.dma_semaphore, #tpu.memory_space<semaphore_mem>>) src(%dma_wait3A_123 : memref<128xi32, #tpu.memory_space<hbm>>) dst(%arg6 : memref<128xi32, #tpu.memory_space<vmem>>)
      tpu.yield
    }) : () -> ()
    "tpu.region"() ({
      %run_scoped3A = tpu.sem_alloc : memref<!tpu.dma_semaphore, #tpu.memory_space<semaphore_mem>>
      %dma_start3A_120 = tpu.memref_slice %arg4[%add3A_4] : memref<16384xi32, #tpu.memory_space<hbm>> -> memref<128xi32, #tpu.memory_space<hbm>>
      %dma_start3A_121 = tpu.memref_slice %arg4[%add3A_4] : memref<16384xi32, #tpu.memory_space<hbm>> -> memref<128xi32, #tpu.memory_space<hbm>>
      tpu.enqueue_dma source(%dma_start3A_121 : memref<128xi32, #tpu.memory_space<hbm>>) target(%arg8 : memref<128xi32, #tpu.memory_space<vmem>>) target_semaphore(%run_scoped3A : memref<!tpu.dma_semaphore, #tpu.memory_space<semaphore_mem>>)
      %dma_wait3A_122 = tpu.memref_slice %arg4[%add3A_4] : memref<16384xi32, #tpu.memory_space<hbm>> -> memref<128xi32, #tpu.memory_space<hbm>>
      %dma_wait3A_123 = tpu.memref_slice %arg4[%add3A_4] : memref<16384xi32, #tpu.memory_space<hbm>> -> memref<128xi32, #tpu.memory_space<hbm>>
      tpu.wait_dma2 semaphore(%run_scoped3A : memref<!tpu.dma_semaphore, #tpu.memory_space<semaphore_mem>>) src(%dma_wait3A_123 : memref<128xi32, #tpu.memory_space<hbm>>) dst(%arg8 : memref<128xi32, #tpu.memory_space<vmem>>)
      tpu.yield
    }) : () -> ()
    %dma_start3A = arith.constant 0 : i32
    %dma_start3A_5 = arith.constant 0 : i32
    %dma_start3A_6 = tpu.memref_slice %arg2[%dma_start3A, %dma_start3A_5] : memref<1000000x128xf32, #tpu.memory_space<hbm>> -> memref<1000000x128xf32, #tpu.memory_space<hbm>>
    tpu.enqueue_indirect_dma source(%dma_start3A_6 : memref<1000000x128xf32, #tpu.memory_space<hbm>>) target(%arg10 : memref<128x128xf32, #tpu.memory_space<vmem>>) offsets(%arg6 : memref<128xi32, #tpu.memory_space<vmem>>) semaphore(%arg16 : memref<!tpu.dma_semaphore, #tpu.memory_space<semaphore_mem>>)
    %dma_start3A_7 = arith.constant 0 : i32
    %dma_start3A_8 = arith.constant 0 : i32
    %dma_start3A_9 = tpu.memref_slice %arg2[%dma_start3A_7, %dma_start3A_8] : memref<1000000x128xf32, #tpu.memory_space<hbm>> -> memref<1000000x128xf32, #tpu.memory_space<hbm>>
    tpu.enqueue_indirect_dma source(%dma_start3A_9 : memref<1000000x128xf32, #tpu.memory_space<hbm>>) target(%arg12 : memref<128x128xf32, #tpu.memory_space<vmem>>) offsets(%arg8 : memref<128xi32, #tpu.memory_space<vmem>>) semaphore(%arg17 : memref<!tpu.dma_semaphore, #tpu.memory_space<semaphore_mem>>)
    %add3A_10 = arith.constant 128 : i32
    %add3A_11 = arith.addi %mul3A_2, %add3A_10 : i32
    "tpu.region"() ({
      %run_scoped3A = tpu.sem_alloc : memref<!tpu.dma_semaphore, #tpu.memory_space<semaphore_mem>>
      %dma_start3A_120 = tpu.memref_slice %arg3[%add3A_11] : memref<16384xi32, #tpu.memory_space<hbm>> -> memref<128xi32, #tpu.memory_space<hbm>>
      %dma_start3A_121 = tpu.memref_slice %arg3[%add3A_11] : memref<16384xi32, #tpu.memory_space<hbm>> -> memref<128xi32, #tpu.memory_space<hbm>>
      tpu.enqueue_dma source(%dma_start3A_121 : memref<128xi32, #tpu.memory_space<hbm>>) target(%arg7 : memref<128xi32, #tpu.memory_space<vmem>>) target_semaphore(%run_scoped3A : memref<!tpu.dma_semaphore, #tpu.memory_space<semaphore_mem>>)
      %dma_wait3A_122 = tpu.memref_slice %arg3[%add3A_11] : memref<16384xi32, #tpu.memory_space<hbm>> -> memref<128xi32, #tpu.memory_space<hbm>>
      %dma_wait3A_123 = tpu.memref_slice %arg3[%add3A_11] : memref<16384xi32, #tpu.memory_space<hbm>> -> memref<128xi32, #tpu.memory_space<hbm>>
      tpu.wait_dma2 semaphore(%run_scoped3A : memref<!tpu.dma_semaphore, #tpu.memory_space<semaphore_mem>>) src(%dma_wait3A_123 : memref<128xi32, #tpu.memory_space<hbm>>) dst(%arg7 : memref<128xi32, #tpu.memory_space<vmem>>)
      tpu.yield
    }) : () -> ()
    "tpu.region"() ({
      %run_scoped3A = tpu.sem_alloc : memref<!tpu.dma_semaphore, #tpu.memory_space<semaphore_mem>>
      %dma_start3A_120 = tpu.memref_slice %arg4[%add3A_11] : memref<16384xi32, #tpu.memory_space<hbm>> -> memref<128xi32, #tpu.memory_space<hbm>>
      %dma_start3A_121 = tpu.memref_slice %arg4[%add3A_11] : memref<16384xi32, #tpu.memory_space<hbm>> -> memref<128xi32, #tpu.memory_space<hbm>>
      tpu.enqueue_dma source(%dma_start3A_121 : memref<128xi32, #tpu.memory_space<hbm>>) target(%arg9 : memref<128xi32, #tpu.memory_space<vmem>>) target_semaphore(%run_scoped3A : memref<!tpu.dma_semaphore, #tpu.memory_space<semaphore_mem>>)
      %dma_wait3A_122 = tpu.memref_slice %arg4[%add3A_11] : memref<16384xi32, #tpu.memory_space<hbm>> -> memref<128xi32, #tpu.memory_space<hbm>>
      %dma_wait3A_123 = tpu.memref_slice %arg4[%add3A_11] : memref<16384xi32, #tpu.memory_space<hbm>> -> memref<128xi32, #tpu.memory_space<hbm>>
      tpu.wait_dma2 semaphore(%run_scoped3A : memref<!tpu.dma_semaphore, #tpu.memory_space<semaphore_mem>>) src(%dma_wait3A_123 : memref<128xi32, #tpu.memory_space<hbm>>) dst(%arg9 : memref<128xi32, #tpu.memory_space<vmem>>)
      tpu.yield
    }) : () -> ()
    %dma_start3A_12 = arith.constant 0 : i32
    %dma_start3A_13 = arith.constant 0 : i32
    %dma_start3A_14 = tpu.memref_slice %arg2[%dma_start3A_12, %dma_start3A_13] : memref<1000000x128xf32, #tpu.memory_space<hbm>> -> memref<1000000x128xf32, #tpu.memory_space<hbm>>
    tpu.enqueue_indirect_dma source(%dma_start3A_14 : memref<1000000x128xf32, #tpu.memory_space<hbm>>) target(%arg11 : memref<128x128xf32, #tpu.memory_space<vmem>>) offsets(%arg7 : memref<128xi32, #tpu.memory_space<vmem>>) semaphore(%arg18 : memref<!tpu.dma_semaphore, #tpu.memory_space<semaphore_mem>>)
    %dma_start3A_15 = arith.constant 0 : i32
    %dma_start3A_16 = arith.constant 0 : i32
    %dma_start3A_17 = tpu.memref_slice %arg2[%dma_start3A_15, %dma_start3A_16] : memref<1000000x128xf32, #tpu.memory_space<hbm>> -> memref<1000000x128xf32, #tpu.memory_space<hbm>>
    tpu.enqueue_indirect_dma source(%dma_start3A_17 : memref<1000000x128xf32, #tpu.memory_space<hbm>>) target(%arg13 : memref<128x128xf32, #tpu.memory_space<vmem>>) offsets(%arg9 : memref<128xi32, #tpu.memory_space<vmem>>) semaphore(%arg19 : memref<!tpu.dma_semaphore, #tpu.memory_space<semaphore_mem>>)
    %dma_wait3A = arith.constant 0 : i32
    %dma_wait3A_18 = arith.constant 0 : i32
    %dma_wait3A_19 = tpu.memref_slice %arg2[%dma_wait3A, %dma_wait3A_18] : memref<1000000x128xf32, #tpu.memory_space<hbm>> -> memref<1000000x128xf32, #tpu.memory_space<hbm>>
    tpu.wait_indirect_dma semaphore(%arg16 : memref<!tpu.dma_semaphore, #tpu.memory_space<semaphore_mem>>) src(%dma_wait3A_19 : memref<1000000x128xf32, #tpu.memory_space<hbm>>) dst(%arg10 : memref<128x128xf32, #tpu.memory_space<vmem>>)
    %dma_wait3A_20 = arith.constant 0 : i32
    %dma_wait3A_21 = arith.constant 0 : i32
    %dma_wait3A_22 = tpu.memref_slice %arg2[%dma_wait3A_20, %dma_wait3A_21] : memref<1000000x128xf32, #tpu.memory_space<hbm>> -> memref<1000000x128xf32, #tpu.memory_space<hbm>>
    tpu.wait_indirect_dma semaphore(%arg17 : memref<!tpu.dma_semaphore, #tpu.memory_space<semaphore_mem>>) src(%dma_wait3A_22 : memref<1000000x128xf32, #tpu.memory_space<hbm>>) dst(%arg12 : memref<128x128xf32, #tpu.memory_space<vmem>>)
    %scan3A = arith.constant 0 : i32
    %scan3A_23 = arith.constant 0 : i32
    %scan3A_24 = arith.constant 128 : i32
    %scan3A_25 = arith.addi %scan3A_23, %scan3A_24 : i32
    %scan3A_26 = arith.constant 1 : i32
    scf.for %scan3A_120 = %scan3A_23 to %scan3A_25 step %scan3A_26  : i32 {
      %get3A = arith.index_cast %scan3A_120 : i32 to index
      %get3A_121 = arith.constant 0 : index
      %get3A_122 = tpu.vector_load %arg10[%get3A, %get3A_121] {strides = array<i32>} : memref<128x128xf32, #tpu.memory_space<vmem>>, vector<1x16xf32>,
      %get3A_123 = vector.shape_cast %get3A_122 : vector<1x16xf32> to vector<16xf32>
      %get3A_124 = arith.index_cast %scan3A_120 : i32 to index
      %get3A_125 = arith.constant 0 : index
      %get3A_126 = tpu.vector_load %arg12[%get3A_124, %get3A_125] {strides = array<i32>} : memref<128x128xf32, #tpu.memory_space<vmem>>, vector<1x16xf32>,
      %get3A_127 = vector.shape_cast %get3A_126 : vector<1x16xf32> to vector<16xf32>
      %add3A_128 = arith.addf %get3A_123, %get3A_127 : vector<16xf32>
      %swap3A = arith.index_cast %scan3A_120 : i32 to index
      %swap3A_129 = arith.constant 0 : index
      %swap3A_130 = tpu.vector_load %arg14[%swap3A, %swap3A_129] {strides = array<i32>} : memref<128x128xf32, #tpu.memory_space<vmem>>, vector<1x16xf32>,
      %swap3A_131 = vector.shape_cast %swap3A_130 : vector<1x16xf32> to vector<16xf32>
      %swap3A_132 = vector.shape_cast %add3A_128 : vector<16xf32> to vector<1x16xf32>
      tpu.vector_store %arg14[%swap3A, %swap3A_129], %swap3A_132 {strides = array<i32>} : memref<128x128xf32, #tpu.memory_space<vmem>>, vector<1x16xf32>,
      %get3A_133 = arith.index_cast %scan3A_120 : i32 to index
      %get3A_134 = arith.constant 16 : index
      %get3A_135 = tpu.vector_load %arg10[%get3A_133, %get3A_134] {strides = array<i32>} : memref<128x128xf32, #tpu.memory_space<vmem>>, vector<1x16xf32>,
      %get3A_136 = vector.shape_cast %get3A_135 : vector<1x16xf32> to vector<16xf32>
      %get3A_137 = arith.index_cast %scan3A_120 : i32 to index
      %get3A_138 = arith.constant 16 : index
      %get3A_139 = tpu.vector_load %arg12[%get3A_137, %get3A_138] {strides = array<i32>} : memref<128x128xf32, #tpu.memory_space<vmem>>, vector<1x16xf32>,
      %get3A_140 = vector.shape_cast %get3A_139 : vector<1x16xf32> to vector<16xf32>
      %add3A_141 = arith.addf %get3A_136, %get3A_140 : vector<16xf32>
      %swap3A_142 = arith.index_cast %scan3A_120 : i32 to index
      %swap3A_143 = arith.constant 16 : index
      %swap3A_144 = tpu.vector_load %arg14[%swap3A_142, %swap3A_143] {strides = array<i32>} : memref<128x128xf32, #tpu.memory_space<vmem>>, vector<1x16xf32>,
      %swap3A_145 = vector.shape_cast %swap3A_144 : vector<1x16xf32> to vector<16xf32>
      %swap3A_146 = vector.shape_cast %add3A_141 : vector<16xf32> to vector<1x16xf32>
      tpu.vector_store %arg14[%swap3A_142, %swap3A_143], %swap3A_146 {strides = array<i32>} : memref<128x128xf32, #tpu.memory_space<vmem>>, vector<1x16xf32>,
      %get3A_147 = arith.index_cast %scan3A_120 : i32 to index
      %get3A_148 = arith.constant 32 : index
      %get3A_149 = tpu.vector_load %arg10[%get3A_147, %get3A_148] {strides = array<i32>} : memref<128x128xf32, #tpu.memory_space<vmem>>, vector<1x16xf32>,
      %get3A_150 = vector.shape_cast %get3A_149 : vector<1x16xf32> to vector<16xf32>
      %get3A_151 = arith.index_cast %scan3A_120 : i32 to index
      %get3A_152 = arith.constant 32 : index
      %get3A_153 = tpu.vector_load %arg12[%get3A_151, %get3A_152] {strides = array<i32>} : memref<128x128xf32, #tpu.memory_space<vmem>>, vector<1x16xf32>,
      %get3A_154 = vector.shape_cast %get3A_153 : vector<1x16xf32> to vector<16xf32>
      %add3A_155 = arith.addf %get3A_150, %get3A_154 : vector<16xf32>
      %swap3A_156 = arith.index_cast %scan3A_120 : i32 to index
      %swap3A_157 = arith.constant 32 : index
      %swap3A_158 = tpu.vector_load %arg14[%swap3A_156, %swap3A_157] {strides = array<i32>} : memref<128x128xf32, #tpu.memory_space<vmem>>, vector<1x16xf32>,
      %swap3A_159 = vector.shape_cast %swap3A_158 : vector<1x16xf32> to vector<16xf32>
      %swap3A_160 = vector.shape_cast %add3A_155 : vector<16xf32> to vector<1x16xf32>
      tpu.vector_store %arg14[%swap3A_156, %swap3A_157], %swap3A_160 {strides = array<i32>} : memref<128x128xf32, #tpu.memory_space<vmem>>, vector<1x16xf32>,
      %get3A_161 = arith.index_cast %scan3A_120 : i32 to index
      %get3A_162 = arith.constant 48 : index
      %get3A_163 = tpu.vector_load %arg10[%get3A_161, %get3A_162] {strides = array<i32>} : memref<128x128xf32, #tpu.memory_space<vmem>>, vector<1x16xf32>,
      %get3A_164 = vector.shape_cast %get3A_163 : vector<1x16xf32> to vector<16xf32>
      %get3A_165 = arith.index_cast %scan3A_120 : i32 to index
      %get3A_166 = arith.constant 48 : index
      %get3A_167 = tpu.vector_load %arg12[%get3A_165, %get3A_166] {strides = array<i32>} : memref<128x128xf32, #tpu.memory_space<vmem>>, vector<1x16xf32>,
      %get3A_168 = vector.shape_cast %get3A_167 : vector<1x16xf32> to vector<16xf32>
      %add3A_169 = arith.addf %get3A_164, %get3A_168 : vector<16xf32>
      %swap3A_170 = arith.index_cast %scan3A_120 : i32 to index
      %swap3A_171 = arith.constant 48 : index
      %swap3A_172 = tpu.vector_load %arg14[%swap3A_170, %swap3A_171] {strides = array<i32>} : memref<128x128xf32, #tpu.memory_space<vmem>>, vector<1x16xf32>,
      %swap3A_173 = vector.shape_cast %swap3A_172 : vector<1x16xf32> to vector<16xf32>
      %swap3A_174 = vector.shape_cast %add3A_169 : vector<16xf32> to vector<1x16xf32>
      tpu.vector_store %arg14[%swap3A_170, %swap3A_171], %swap3A_174 {strides = array<i32>} : memref<128x128xf32, #tpu.memory_space<vmem>>, vector<1x16xf32>,
      %get3A_175 = arith.index_cast %scan3A_120 : i32 to index
      %get3A_176 = arith.constant 64 : index
      %get3A_177 = tpu.vector_load %arg10[%get3A_175, %get3A_176] {strides = array<i32>} : memref<128x128xf32, #tpu.memory_space<vmem>>, vector<1x16xf32>,
      %get3A_178 = vector.shape_cast %get3A_177 : vector<1x16xf32> to vector<16xf32>
      %get3A_179 = arith.index_cast %scan3A_120 : i32 to index
      %get3A_180 = arith.constant 64 : index
      %get3A_181 = tpu.vector_load %arg12[%get3A_179, %get3A_180] {strides = array<i32>} : memref<128x128xf32, #tpu.memory_space<vmem>>, vector<1x16xf32>,
      %get3A_182 = vector.shape_cast %get3A_181 : vector<1x16xf32> to vector<16xf32>
      %add3A_183 = arith.addf %get3A_178, %get3A_182 : vector<16xf32>
      %swap3A_184 = arith.index_cast %scan3A_120 : i32 to index
      %swap3A_185 = arith.constant 64 : index
      %swap3A_186 = tpu.vector_load %arg14[%swap3A_184, %swap3A_185] {strides = array<i32>} : memref<128x128xf32, #tpu.memory_space<vmem>>, vector<1x16xf32>,
      %swap3A_187 = vector.shape_cast %swap3A_186 : vector<1x16xf32> to vector<16xf32>
      %swap3A_188 = vector.shape_cast %add3A_183 : vector<16xf32> to vector<1x16xf32>
      tpu.vector_store %arg14[%swap3A_184, %swap3A_185], %swap3A_188 {strides = array<i32>} : memref<128x128xf32, #tpu.memory_space<vmem>>, vector<1x16xf32>,
      %get3A_189 = arith.index_cast %scan3A_120 : i32 to index
      %get3A_190 = arith.constant 80 : index
      %get3A_191 = tpu.vector_load %arg10[%get3A_189, %get3A_190] {strides = array<i32>} : memref<128x128xf32, #tpu.memory_space<vmem>>, vector<1x16xf32>,
      %get3A_192 = vector.shape_cast %get3A_191 : vector<1x16xf32> to vector<16xf32>
      %get3A_193 = arith.index_cast %scan3A_120 : i32 to index
      %get3A_194 = arith.constant 80 : index
      %get3A_195 = tpu.vector_load %arg12[%get3A_193, %get3A_194] {strides = array<i32>} : memref<128x128xf32, #tpu.memory_space<vmem>>, vector<1x16xf32>,
      %get3A_196 = vector.shape_cast %get3A_195 : vector<1x16xf32> to vector<16xf32>
      %add3A_197 = arith.addf %get3A_192, %get3A_196 : vector<16xf32>
      %swap3A_198 = arith.index_cast %scan3A_120 : i32 to index
      %swap3A_199 = arith.constant 80 : index
      %swap3A_200 = tpu.vector_load %arg14[%swap3A_198, %swap3A_199] {strides = array<i32>} : memref<128x128xf32, #tpu.memory_space<vmem>>, vector<1x16xf32>,
      %swap3A_201 = vector.shape_cast %swap3A_200 : vector<1x16xf32> to vector<16xf32>
      %swap3A_202 = vector.shape_cast %add3A_197 : vector<16xf32> to vector<1x16xf32>
      tpu.vector_store %arg14[%swap3A_198, %swap3A_199], %swap3A_202 {strides = array<i32>} : memref<128x128xf32, #tpu.memory_space<vmem>>, vector<1x16xf32>,
      %get3A_203 = arith.index_cast %scan3A_120 : i32 to index
      %get3A_204 = arith.constant 96 : index
      %get3A_205 = tpu.vector_load %arg10[%get3A_203, %get3A_204] {strides = array<i32>} : memref<128x128xf32, #tpu.memory_space<vmem>>, vector<1x16xf32>,
      %get3A_206 = vector.shape_cast %get3A_205 : vector<1x16xf32> to vector<16xf32>
      %get3A_207 = arith.index_cast %scan3A_120 : i32 to index
      %get3A_208 = arith.constant 96 : index
      %get3A_209 = tpu.vector_load %arg12[%get3A_207, %get3A_208] {strides = array<i32>} : memref<128x128xf32, #tpu.memory_space<vmem>>, vector<1x16xf32>,
      %get3A_210 = vector.shape_cast %get3A_209 : vector<1x16xf32> to vector<16xf32>
      %add3A_211 = arith.addf %get3A_206, %get3A_210 : vector<16xf32>
      %swap3A_212 = arith.index_cast %scan3A_120 : i32 to index
      %swap3A_213 = arith.constant 96 : index
      %swap3A_214 = tpu.vector_load %arg14[%swap3A_212, %swap3A_213] {strides = array<i32>} : memref<128x128xf32, #tpu.memory_space<vmem>>, vector<1x16xf32>,
      %swap3A_215 = vector.shape_cast %swap3A_214 : vector<1x16xf32> to vector<16xf32>
      %swap3A_216 = vector.shape_cast %add3A_211 : vector<16xf32> to vector<1x16xf32>
      tpu.vector_store %arg14[%swap3A_212, %swap3A_213], %swap3A_216 {strides = array<i32>} : memref<128x128xf32, #tpu.memory_space<vmem>>, vector<1x16xf32>,
      %get3A_217 = arith.index_cast %scan3A_120 : i32 to index
      %get3A_218 = arith.constant 112 : index
      %get3A_219 = tpu.vector_load %arg10[%get3A_217, %get3A_218] {strides = array<i32>} : memref<128x128xf32, #tpu.memory_space<vmem>>, vector<1x16xf32>,
      %get3A_220 = vector.shape_cast %get3A_219 : vector<1x16xf32> to vector<16xf32>
      %get3A_221 = arith.index_cast %scan3A_120 : i32 to index
      %get3A_222 = arith.constant 112 : index
      %get3A_223 = tpu.vector_load %arg12[%get3A_221, %get3A_222] {strides = array<i32>} : memref<128x128xf32, #tpu.memory_space<vmem>>, vector<1x16xf32>,
      %get3A_224 = vector.shape_cast %get3A_223 : vector<1x16xf32> to vector<16xf32>
      %add3A_225 = arith.addf %get3A_220, %get3A_224 : vector<16xf32>
      %swap3A_226 = arith.index_cast %scan3A_120 : i32 to index
      %swap3A_227 = arith.constant 112 : index
      %swap3A_228 = tpu.vector_load %arg14[%swap3A_226, %swap3A_227] {strides = array<i32>} : memref<128x128xf32, #tpu.memory_space<vmem>>, vector<1x16xf32>,
      %swap3A_229 = vector.shape_cast %swap3A_228 : vector<1x16xf32> to vector<16xf32>
      %swap3A_230 = vector.shape_cast %add3A_225 : vector<16xf32> to vector<1x16xf32>
      tpu.vector_store %arg14[%swap3A_226, %swap3A_227], %swap3A_230 {strides = array<i32>} : memref<128x128xf32, #tpu.memory_space<vmem>>, vector<1x16xf32>,
    }
    %scan3A_27 = arith.constant 128 : i32
    %add3A_28 = arith.constant 0 : i32
    %add3A_29 = arith.addi %mul3A_2, %add3A_28 : i32
    %dma_start3A_30 = arith.constant 0 : i32
    %dma_start3A_31 = tpu.memref_slice %arg5[%add3A_29, %dma_start3A_30] : memref<16384x128xf32, #tpu.memory_space<hbm>> -> memref<128x128xf32, #tpu.memory_space<hbm>>
    %dma_start3A_32 = arith.constant 0 : i32
    %dma_start3A_33 = tpu.memref_slice %arg5[%add3A_29, %dma_start3A_32] : memref<16384x128xf32, #tpu.memory_space<hbm>> -> memref<128x128xf32, #tpu.memory_space<hbm>>
    tpu.enqueue_dma source(%arg14 : memref<128x128xf32, #tpu.memory_space<vmem>>) target(%dma_start3A_33 : memref<128x128xf32, #tpu.memory_space<hbm>>) target_semaphore(%arg20 : memref<!tpu.dma_semaphore, #tpu.memory_space<semaphore_mem>>)
    %add3A_34 = arith.constant 256 : i32
    %add3A_35 = arith.addi %mul3A_2, %add3A_34 : i32
    "tpu.region"() ({
      %run_scoped3A = tpu.sem_alloc : memref<!tpu.dma_semaphore, #tpu.memory_space<semaphore_mem>>
      %dma_start3A_120 = tpu.memref_slice %arg3[%add3A_35] : memref<16384xi32, #tpu.memory_space<hbm>> -> memref<128xi32, #tpu.memory_space<hbm>>
      %dma_start3A_121 = tpu.memref_slice %arg3[%add3A_35] : memref<16384xi32, #tpu.memory_space<hbm>> -> memref<128xi32, #tpu.memory_space<hbm>>
      tpu.enqueue_dma source(%dma_start3A_121 : memref<128xi32, #tpu.memory_space<hbm>>) target(%arg6 : memref<128xi32, #tpu.memory_space<vmem>>) target_semaphore(%run_scoped3A : memref<!tpu.dma_semaphore, #tpu.memory_space<semaphore_mem>>)
      %dma_wait3A_122 = tpu.memref_slice %arg3[%add3A_35] : memref<16384xi32, #tpu.memory_space<hbm>> -> memref<128xi32, #tpu.memory_space<hbm>>
      %dma_wait3A_123 = tpu.memref_slice %arg3[%add3A_35] : memref<16384xi32, #tpu.memory_space<hbm>> -> memref<128xi32, #tpu.memory_space<hbm>>
      tpu.wait_dma2 semaphore(%run_scoped3A : memref<!tpu.dma_semaphore, #tpu.memory_space<semaphore_mem>>) src(%dma_wait3A_123 : memref<128xi32, #tpu.memory_space<hbm>>) dst(%arg6 : memref<128xi32, #tpu.memory_space<vmem>>)
      tpu.yield
    }) : () -> ()
    "tpu.region"() ({
      %run_scoped3A = tpu.sem_alloc : memref<!tpu.dma_semaphore, #tpu.memory_space<semaphore_mem>>
      %dma_start3A_120 = tpu.memref_slice %arg4[%add3A_35] : memref<16384xi32, #tpu.memory_space<hbm>> -> memref<128xi32, #tpu.memory_space<hbm>>
      %dma_start3A_121 = tpu.memref_slice %arg4[%add3A_35] : memref<16384xi32, #tpu.memory_space<hbm>> -> memref<128xi32, #tpu.memory_space<hbm>>
      tpu.enqueue_dma source(%dma_start3A_121 : memref<128xi32, #tpu.memory_space<hbm>>) target(%arg8 : memref<128xi32, #tpu.memory_space<vmem>>) target_semaphore(%run_scoped3A : memref<!tpu.dma_semaphore, #tpu.memory_space<semaphore_mem>>)
      %dma_wait3A_122 = tpu.memref_slice %arg4[%add3A_35] : memref<16384xi32, #tpu.memory_space<hbm>> -> memref<128xi32, #tpu.memory_space<hbm>>
      %dma_wait3A_123 = tpu.memref_slice %arg4[%add3A_35] : memref<16384xi32, #tpu.memory_space<hbm>> -> memref<128xi32, #tpu.memory_space<hbm>>
      tpu.wait_dma2 semaphore(%run_scoped3A : memref<!tpu.dma_semaphore, #tpu.memory_space<semaphore_mem>>) src(%dma_wait3A_123 : memref<128xi32, #tpu.memory_space<hbm>>) dst(%arg8 : memref<128xi32, #tpu.memory_space<vmem>>)
      tpu.yield
    }) : () -> ()
    %dma_start3A_36 = arith.constant 0 : i32
    %dma_start3A_37 = arith.constant 0 : i32
    %dma_start3A_38 = tpu.memref_slice %arg2[%dma_start3A_36, %dma_start3A_37] : memref<1000000x128xf32, #tpu.memory_space<hbm>> -> memref<1000000x128xf32, #tpu.memory_space<hbm>>
    tpu.enqueue_indirect_dma source(%dma_start3A_38 : memref<1000000x128xf32, #tpu.memory_space<hbm>>) target(%arg10 : memref<128x128xf32, #tpu.memory_space<vmem>>) offsets(%arg6 : memref<128xi32, #tpu.memory_space<vmem>>) semaphore(%arg16 : memref<!tpu.dma_semaphore, #tpu.memory_space<semaphore_mem>>)
    %dma_start3A_39 = arith.constant 0 : i32
    %dma_start3A_40 = arith.constant 0 : i32
    %dma_start3A_41 = tpu.memref_slice %arg2[%dma_start3A_39, %dma_start3A_40] : memref<1000000x128xf32, #tpu.memory_space<hbm>> -> memref<1000000x128xf32, #tpu.memory_space<hbm>>
    tpu.enqueue_indirect_dma source(%dma_start3A_41 : memref<1000000x128xf32, #tpu.memory_space<hbm>>) target(%arg12 : memref<128x128xf32, #tpu.memory_space<vmem>>) offsets(%arg8 : memref<128xi32, #tpu.memory_space<vmem>>) semaphore(%arg17 : memref<!tpu.dma_semaphore, #tpu.memory_space<semaphore_mem>>)
    %dma_wait3A_42 = arith.constant 0 : i32
    %dma_wait3A_43 = arith.constant 0 : i32
    %dma_wait3A_44 = tpu.memref_slice %arg2[%dma_wait3A_42, %dma_wait3A_43] : memref<1000000x128xf32, #tpu.memory_space<hbm>> -> memref<1000000x128xf32, #tpu.memory_space<hbm>>
    tpu.wait_indirect_dma semaphore(%arg18 : memref<!tpu.dma_semaphore, #tpu.memory_space<semaphore_mem>>) src(%dma_wait3A_44 : memref<1000000x128xf32, #tpu.memory_space<hbm>>) dst(%arg11 : memref<128x128xf32, #tpu.memory_space<vmem>>)
    %dma_wait3A_45 = arith.constant 0 : i32
    %dma_wait3A_46 = arith.constant 0 : i32
    %dma_wait3A_47 = tpu.memref_slice %arg2[%dma_wait3A_45, %dma_wait3A_46] : memref<1000000x128xf32, #tpu.memory_space<hbm>> -> memref<1000000x128xf32, #tpu.memory_space<hbm>>
    tpu.wait_indirect_dma semaphore(%arg19 : memref<!tpu.dma_semaphore, #tpu.memory_space<semaphore_mem>>) src(%dma_wait3A_47 : memref<1000000x128xf32, #tpu.memory_space<hbm>>) dst(%arg13 : memref<128x128xf32, #tpu.memory_space<vmem>>)
    %scan3A_48 = arith.constant 0 : i32
    %scan3A_49 = arith.constant 0 : i32
    %scan3A_50 = arith.constant 128 : i32
    %scan3A_51 = arith.addi %scan3A_49, %scan3A_50 : i32
    %scan3A_52 = arith.constant 1 : i32
    scf.for %scan3A_120 = %scan3A_49 to %scan3A_51 step %scan3A_52  : i32 {
      %get3A = arith.index_cast %scan3A_120 : i32 to index
      %get3A_121 = arith.constant 0 : index
      %get3A_122 = tpu.vector_load %arg11[%get3A, %get3A_121] {strides = array<i32>} : memref<128x128xf32, #tpu.memory_space<vmem>>, vector<1x16xf32>,
      %get3A_123 = vector.shape_cast %get3A_122 : vector<1x16xf32> to vector<16xf32>
      %get3A_124 = arith.index_cast %scan3A_120 : i32 to index
      %get3A_125 = arith.constant 0 : index
      %get3A_126 = tpu.vector_load %arg13[%get3A_124, %get3A_125] {strides = array<i32>} : memref<128x128xf32, #tpu.memory_space<vmem>>, vector<1x16xf32>,
      %get3A_127 = vector.shape_cast %get3A_126 : vector<1x16xf32> to vector<16xf32>
      %add3A_128 = arith.addf %get3A_123, %get3A_127 : vector<16xf32>
      %swap3A = arith.index_cast %scan3A_120 : i32 to index
      %swap3A_129 = arith.constant 0 : index
      %swap3A_130 = tpu.vector_load %arg15[%swap3A, %swap3A_129] {strides = array<i32>} : memref<128x128xf32, #tpu.memory_space<vmem>>, vector<1x16xf32>,
      %swap3A_131 = vector.shape_cast %swap3A_130 : vector<1x16xf32> to vector<16xf32>
      %swap3A_132 = vector.shape_cast %add3A_128 : vector<16xf32> to vector<1x16xf32>
      tpu.vector_store %arg15[%swap3A, %swap3A_129], %swap3A_132 {strides = array<i32>} : memref<128x128xf32, #tpu.memory_space<vmem>>, vector<1x16xf32>,
      %get3A_133 = arith.index_cast %scan3A_120 : i32 to index
      %get3A_134 = arith.constant 16 : index
      %get3A_135 = tpu.vector_load %arg11[%get3A_133, %get3A_134] {strides = array<i32>} : memref<128x128xf32, #tpu.memory_space<vmem>>, vector<1x16xf32>,
      %get3A_136 = vector.shape_cast %get3A_135 : vector<1x16xf32> to vector<16xf32>
      %get3A_137 = arith.index_cast %scan3A_120 : i32 to index
      %get3A_138 = arith.constant 16 : index
      %get3A_139 = tpu.vector_load %arg13[%get3A_137, %get3A_138] {strides = array<i32>} : memref<128x128xf32, #tpu.memory_space<vmem>>, vector<1x16xf32>,
      %get3A_140 = vector.shape_cast %get3A_139 : vector<1x16xf32> to vector<16xf32>
      %add3A_141 = arith.addf %get3A_136, %get3A_140 : vector<16xf32>
      %swap3A_142 = arith.index_cast %scan3A_120 : i32 to index
      %swap3A_143 = arith.constant 16 : index
      %swap3A_144 = tpu.vector_load %arg15[%swap3A_142, %swap3A_143] {strides = array<i32>} : memref<128x128xf32, #tpu.memory_space<vmem>>, vector<1x16xf32>,
      %swap3A_145 = vector.shape_cast %swap3A_144 : vector<1x16xf32> to vector<16xf32>
      %swap3A_146 = vector.shape_cast %add3A_141 : vector<16xf32> to vector<1x16xf32>
      tpu.vector_store %arg15[%swap3A_142, %swap3A_143], %swap3A_146 {strides = array<i32>} : memref<128x128xf32, #tpu.memory_space<vmem>>, vector<1x16xf32>,
      %get3A_147 = arith.index_cast %scan3A_120 : i32 to index
      %get3A_148 = arith.constant 32 : index
      %get3A_149 = tpu.vector_load %arg11[%get3A_147, %get3A_148] {strides = array<i32>} : memref<128x128xf32, #tpu.memory_space<vmem>>, vector<1x16xf32>,
      %get3A_150 = vector.shape_cast %get3A_149 : vector<1x16xf32> to vector<16xf32>
      %get3A_151 = arith.index_cast %scan3A_120 : i32 to index
      %get3A_152 = arith.constant 32 : index
      %get3A_153 = tpu.vector_load %arg13[%get3A_151, %get3A_152] {strides = array<i32>} : memref<128x128xf32, #tpu.memory_space<vmem>>, vector<1x16xf32>,
      %get3A_154 = vector.shape_cast %get3A_153 : vector<1x16xf32> to vector<16xf32>
      %add3A_155 = arith.addf %get3A_150, %get3A_154 : vector<16xf32>
      %swap3A_156 = arith.index_cast %scan3A_120 : i32 to index
      %swap3A_157 = arith.constant 32 : index
      %swap3A_158 = tpu.vector_load %arg15[%swap3A_156, %swap3A_157] {strides = array<i32>} : memref<128x128xf32, #tpu.memory_space<vmem>>, vector<1x16xf32>,
      %swap3A_159 = vector.shape_cast %swap3A_158 : vector<1x16xf32> to vector<16xf32>
      %swap3A_160 = vector.shape_cast %add3A_155 : vector<16xf32> to vector<1x16xf32>
      tpu.vector_store %arg15[%swap3A_156, %swap3A_157], %swap3A_160 {strides = array<i32>} : memref<128x128xf32, #tpu.memory_space<vmem>>, vector<1x16xf32>,
      %get3A_161 = arith.index_cast %scan3A_120 : i32 to index
      %get3A_162 = arith.constant 48 : index
      %get3A_163 = tpu.vector_load %arg11[%get3A_161, %get3A_162] {strides = array<i32>} : memref<128x128xf32, #tpu.memory_space<vmem>>, vector<1x16xf32>,
      %get3A_164 = vector.shape_cast %get3A_163 : vector<1x16xf32> to vector<16xf32>
      %get3A_165 = arith.index_cast %scan3A_120 : i32 to index
      %get3A_166 = arith.constant 48 : index
      %get3A_167 = tpu.vector_load %arg13[%get3A_165, %get3A_166] {strides = array<i32>} : memref<128x128xf32, #tpu.memory_space<vmem>>, vector<1x16xf32>,
      %get3A_168 = vector.shape_cast %get3A_167 : vector<1x16xf32> to vector<16xf32>
      %add3A_169 = arith.addf %get3A_164, %get3A_168 : vector<16xf32>
      %swap3A_170 = arith.index_cast %scan3A_120 : i32 to index
      %swap3A_171 = arith.constant 48 : index
      %swap3A_172 = tpu.vector_load %arg15[%swap3A_170, %swap3A_171] {strides = array<i32>} : memref<128x128xf32, #tpu.memory_space<vmem>>, vector<1x16xf32>,
      %swap3A_173 = vector.shape_cast %swap3A_172 : vector<1x16xf32> to vector<16xf32>
      %swap3A_174 = vector.shape_cast %add3A_169 : vector<16xf32> to vector<1x16xf32>
      tpu.vector_store %arg15[%swap3A_170, %swap3A_171], %swap3A_174 {strides = array<i32>} : memref<128x128xf32, #tpu.memory_space<vmem>>, vector<1x16xf32>,
      %get3A_175 = arith.index_cast %scan3A_120 : i32 to index
      %get3A_176 = arith.constant 64 : index
      %get3A_177 = tpu.vector_load %arg11[%get3A_175, %get3A_176] {strides = array<i32>} : memref<128x128xf32, #tpu.memory_space<vmem>>, vector<1x16xf32>,
      %get3A_178 = vector.shape_cast %get3A_177 : vector<1x16xf32> to vector<16xf32>
      %get3A_179 = arith.index_cast %scan3A_120 : i32 to index
      %get3A_180 = arith.constant 64 : index
      %get3A_181 = tpu.vector_load %arg13[%get3A_179, %get3A_180] {strides = array<i32>} : memref<128x128xf32, #tpu.memory_space<vmem>>, vector<1x16xf32>,
      %get3A_182 = vector.shape_cast %get3A_181 : vector<1x16xf32> to vector<16xf32>
      %add3A_183 = arith.addf %get3A_178, %get3A_182 : vector<16xf32>
      %swap3A_184 = arith.index_cast %scan3A_120 : i32 to index
      %swap3A_185 = arith.constant 64 : index
      %swap3A_186 = tpu.vector_load %arg15[%swap3A_184, %swap3A_185] {strides = array<i32>} : memref<128x128xf32, #tpu.memory_space<vmem>>, vector<1x16xf32>,
      %swap3A_187 = vector.shape_cast %swap3A_186 : vector<1x16xf32> to vector<16xf32>
      %swap3A_188 = vector.shape_cast %add3A_183 : vector<16xf32> to vector<1x16xf32>
      tpu.vector_store %arg15[%swap3A_184, %swap3A_185], %swap3A_188 {strides = array<i32>} : memref<128x128xf32, #tpu.memory_space<vmem>>, vector<1x16xf32>,
      %get3A_189 = arith.index_cast %scan3A_120 : i32 to index
      %get3A_190 = arith.constant 80 : index
      %get3A_191 = tpu.vector_load %arg11[%get3A_189, %get3A_190] {strides = array<i32>} : memref<128x128xf32, #tpu.memory_space<vmem>>, vector<1x16xf32>,
      %get3A_192 = vector.shape_cast %get3A_191 : vector<1x16xf32> to vector<16xf32>
      %get3A_193 = arith.index_cast %scan3A_120 : i32 to index
      %get3A_194 = arith.constant 80 : index
      %get3A_195 = tpu.vector_load %arg13[%get3A_193, %get3A_194] {strides = array<i32>} : memref<128x128xf32, #tpu.memory_space<vmem>>, vector<1x16xf32>,
      %get3A_196 = vector.shape_cast %get3A_195 : vector<1x16xf32> to vector<16xf32>
      %add3A_197 = arith.addf %get3A_192, %get3A_196 : vector<16xf32>
      %swap3A_198 = arith.index_cast %scan3A_120 : i32 to index
      %swap3A_199 = arith.constant 80 : index
      %swap3A_200 = tpu.vector_load %arg15[%swap3A_198, %swap3A_199] {strides = array<i32>} : memref<128x128xf32, #tpu.memory_space<vmem>>, vector<1x16xf32>,
      %swap3A_201 = vector.shape_cast %swap3A_200 : vector<1x16xf32> to vector<16xf32>
      %swap3A_202 = vector.shape_cast %add3A_197 : vector<16xf32> to vector<1x16xf32>
      tpu.vector_store %arg15[%swap3A_198, %swap3A_199], %swap3A_202 {strides = array<i32>} : memref<128x128xf32, #tpu.memory_space<vmem>>, vector<1x16xf32>,
      %get3A_203 = arith.index_cast %scan3A_120 : i32 to index
      %get3A_204 = arith.constant 96 : index
      %get3A_205 = tpu.vector_load %arg11[%get3A_203, %get3A_204] {strides = array<i32>} : memref<128x128xf32, #tpu.memory_space<vmem>>, vector<1x16xf32>,
      %get3A_206 = vector.shape_cast %get3A_205 : vector<1x16xf32> to vector<16xf32>
      %get3A_207 = arith.index_cast %scan3A_120 : i32 to index
      %get3A_208 = arith.constant 96 : index
      %get3A_209 = tpu.vector_load %arg13[%get3A_207, %get3A_208] {strides = array<i32>} : memref<128x128xf32, #tpu.memory_space<vmem>>, vector<1x16xf32>,
      %get3A_210 = vector.shape_cast %get3A_209 : vector<1x16xf32> to vector<16xf32>
      %add3A_211 = arith.addf %get3A_206, %get3A_210 : vector<16xf32>
      %swap3A_212 = arith.index_cast %scan3A_120 : i32 to index
      %swap3A_213 = arith.constant 96 : index
      %swap3A_214 = tpu.vector_load %arg15[%swap3A_212, %swap3A_213] {strides = array<i32>} : memref<128x128xf32, #tpu.memory_space<vmem>>, vector<1x16xf32>,
      %swap3A_215 = vector.shape_cast %swap3A_214 : vector<1x16xf32> to vector<16xf32>
      %swap3A_216 = vector.shape_cast %add3A_211 : vector<16xf32> to vector<1x16xf32>
      tpu.vector_store %arg15[%swap3A_212, %swap3A_213], %swap3A_216 {strides = array<i32>} : memref<128x128xf32, #tpu.memory_space<vmem>>, vector<1x16xf32>,
      %get3A_217 = arith.index_cast %scan3A_120 : i32 to index
      %get3A_218 = arith.constant 112 : index
      %get3A_219 = tpu.vector_load %arg11[%get3A_217, %get3A_218] {strides = array<i32>} : memref<128x128xf32, #tpu.memory_space<vmem>>, vector<1x16xf32>,
      %get3A_220 = vector.shape_cast %get3A_219 : vector<1x16xf32> to vector<16xf32>
      %get3A_221 = arith.index_cast %scan3A_120 : i32 to index
      %get3A_222 = arith.constant 112 : index
      %get3A_223 = tpu.vector_load %arg13[%get3A_221, %get3A_222] {strides = array<i32>} : memref<128x128xf32, #tpu.memory_space<vmem>>, vector<1x16xf32>,
      %get3A_224 = vector.shape_cast %get3A_223 : vector<1x16xf32> to vector<16xf32>
      %add3A_225 = arith.addf %get3A_220, %get3A_224 : vector<16xf32>
      %swap3A_226 = arith.index_cast %scan3A_120 : i32 to index
      %swap3A_227 = arith.constant 112 : index
      %swap3A_228 = tpu.vector_load %arg15[%swap3A_226, %swap3A_227] {strides = array<i32>} : memref<128x128xf32, #tpu.memory_space<vmem>>, vector<1x16xf32>,
      %swap3A_229 = vector.shape_cast %swap3A_228 : vector<1x16xf32> to vector<16xf32>
      %swap3A_230 = vector.shape_cast %add3A_225 : vector<16xf32> to vector<1x16xf32>
      tpu.vector_store %arg15[%swap3A_226, %swap3A_227], %swap3A_230 {strides = array<i32>} : memref<128x128xf32, #tpu.memory_space<vmem>>, vector<1x16xf32>,
    }
    %scan3A_53 = arith.constant 128 : i32
    %add3A_54 = arith.constant 128 : i32
    %add3A_55 = arith.addi %mul3A_2, %add3A_54 : i32
    %dma_start3A_56 = arith.constant 0 : i32
    %dma_start3A_57 = tpu.memref_slice %arg5[%add3A_55, %dma_start3A_56] : memref<16384x128xf32, #tpu.memory_space<hbm>> -> memref<128x128xf32, #tpu.memory_space<hbm>>
    %dma_start3A_58 = arith.constant 0 : i32
    %dma_start3A_59 = tpu.memref_slice %arg5[%add3A_55, %dma_start3A_58] : memref<16384x128xf32, #tpu.memory_space<hbm>> -> memref<128x128xf32, #tpu.memory_space<hbm>>
    tpu.enqueue_dma source(%arg15 : memref<128x128xf32, #tpu.memory_space<vmem>>) target(%dma_start3A_59 : memref<128x128xf32, #tpu.memory_space<hbm>>) target_semaphore(%arg21 : memref<!tpu.dma_semaphore, #tpu.memory_space<semaphore_mem>>)
    %add3A_60 = arith.constant 384 : i32
    %add3A_61 = arith.addi %mul3A_2, %add3A_60 : i32
    "tpu.region"() ({
      %run_scoped3A = tpu.sem_alloc : memref<!tpu.dma_semaphore, #tpu.memory_space<semaphore_mem>>
      %dma_start3A_120 = tpu.memref_slice %arg3[%add3A_61] : memref<16384xi32, #tpu.memory_space<hbm>> -> memref<128xi32, #tpu.memory_space<hbm>>
      %dma_start3A_121 = tpu.memref_slice %arg3[%add3A_61] : memref<16384xi32, #tpu.memory_space<hbm>> -> memref<128xi32, #tpu.memory_space<hbm>>
      tpu.enqueue_dma source(%dma_start3A_121 : memref<128xi32, #tpu.memory_space<hbm>>) target(%arg7 : memref<128xi32, #tpu.memory_space<vmem>>) target_semaphore(%run_scoped3A : memref<!tpu.dma_semaphore, #tpu.memory_space<semaphore_mem>>)
      %dma_wait3A_122 = tpu.memref_slice %arg3[%add3A_61] : memref<16384xi32, #tpu.memory_space<hbm>> -> memref<128xi32, #tpu.memory_space<hbm>>
      %dma_wait3A_123 = tpu.memref_slice %arg3[%add3A_61] : memref<16384xi32, #tpu.memory_space<hbm>> -> memref<128xi32, #tpu.memory_space<hbm>>
      tpu.wait_dma2 semaphore(%run_scoped3A : memref<!tpu.dma_semaphore, #tpu.memory_space<semaphore_mem>>) src(%dma_wait3A_123 : memref<128xi32, #tpu.memory_space<hbm>>) dst(%arg7 : memref<128xi32, #tpu.memory_space<vmem>>)
      tpu.yield
    }) : () -> ()
    "tpu.region"() ({
      %run_scoped3A = tpu.sem_alloc : memref<!tpu.dma_semaphore, #tpu.memory_space<semaphore_mem>>
      %dma_start3A_120 = tpu.memref_slice %arg4[%add3A_61] : memref<16384xi32, #tpu.memory_space<hbm>> -> memref<128xi32, #tpu.memory_space<hbm>>
      %dma_start3A_121 = tpu.memref_slice %arg4[%add3A_61] : memref<16384xi32, #tpu.memory_space<hbm>> -> memref<128xi32, #tpu.memory_space<hbm>>
      tpu.enqueue_dma source(%dma_start3A_121 : memref<128xi32, #tpu.memory_space<hbm>>) target(%arg9 : memref<128xi32, #tpu.memory_space<vmem>>) target_semaphore(%run_scoped3A : memref<!tpu.dma_semaphore, #tpu.memory_space<semaphore_mem>>)
      %dma_wait3A_122 = tpu.memref_slice %arg4[%add3A_61] : memref<16384xi32, #tpu.memory_space<hbm>> -> memref<128xi32, #tpu.memory_space<hbm>>
      %dma_wait3A_123 = tpu.memref_slice %arg4[%add3A_61] : memref<16384xi32, #tpu.memory_space<hbm>> -> memref<128xi32, #tpu.memory_space<hbm>>
      tpu.wait_dma2 semaphore(%run_scoped3A : memref<!tpu.dma_semaphore, #tpu.memory_space<semaphore_mem>>) src(%dma_wait3A_123 : memref<128xi32, #tpu.memory_space<hbm>>) dst(%arg9 : memref<128xi32, #tpu.memory_space<vmem>>)
      tpu.yield
    }) : () -> ()
    %dma_start3A_62 = arith.constant 0 : i32
    %dma_start3A_63 = arith.constant 0 : i32
    %dma_start3A_64 = tpu.memref_slice %arg2[%dma_start3A_62, %dma_start3A_63] : memref<1000000x128xf32, #tpu.memory_space<hbm>> -> memref<1000000x128xf32, #tpu.memory_space<hbm>>
    tpu.enqueue_indirect_dma source(%dma_start3A_64 : memref<1000000x128xf32, #tpu.memory_space<hbm>>) target(%arg11 : memref<128x128xf32, #tpu.memory_space<vmem>>) offsets(%arg7 : memref<128xi32, #tpu.memory_space<vmem>>) semaphore(%arg18 : memref<!tpu.dma_semaphore, #tpu.memory_space<semaphore_mem>>)
    %dma_start3A_65 = arith.constant 0 : i32
    %dma_start3A_66 = arith.constant 0 : i32
    %dma_start3A_67 = tpu.memref_slice %arg2[%dma_start3A_65, %dma_start3A_66] : memref<1000000x128xf32, #tpu.memory_space<hbm>> -> memref<1000000x128xf32, #tpu.memory_space<hbm>>
    tpu.enqueue_indirect_dma source(%dma_start3A_67 : memref<1000000x128xf32, #tpu.memory_space<hbm>>) target(%arg13 : memref<128x128xf32, #tpu.memory_space<vmem>>) offsets(%arg9 : memref<128xi32, #tpu.memory_space<vmem>>) semaphore(%arg19 : memref<!tpu.dma_semaphore, #tpu.memory_space<semaphore_mem>>)
    %dma_wait3A_68 = arith.constant 0 : i32
    %dma_wait3A_69 = arith.constant 0 : i32
    %dma_wait3A_70 = tpu.memref_slice %arg2[%dma_wait3A_68, %dma_wait3A_69] : memref<1000000x128xf32, #tpu.memory_space<hbm>> -> memref<1000000x128xf32, #tpu.memory_space<hbm>>
    tpu.wait_indirect_dma semaphore(%arg16 : memref<!tpu.dma_semaphore, #tpu.memory_space<semaphore_mem>>) src(%dma_wait3A_70 : memref<1000000x128xf32, #tpu.memory_space<hbm>>) dst(%arg10 : memref<128x128xf32, #tpu.memory_space<vmem>>)
    %dma_wait3A_71 = arith.constant 0 : i32
    %dma_wait3A_72 = arith.constant 0 : i32
    %dma_wait3A_73 = tpu.memref_slice %arg2[%dma_wait3A_71, %dma_wait3A_72] : memref<1000000x128xf32, #tpu.memory_space<hbm>> -> memref<1000000x128xf32, #tpu.memory_space<hbm>>
    tpu.wait_indirect_dma semaphore(%arg17 : memref<!tpu.dma_semaphore, #tpu.memory_space<semaphore_mem>>) src(%dma_wait3A_73 : memref<1000000x128xf32, #tpu.memory_space<hbm>>) dst(%arg12 : memref<128x128xf32, #tpu.memory_space<vmem>>)
    %dma_wait3A_74 = arith.constant 0 : i32
    %dma_wait3A_75 = tpu.memref_slice %arg5[%add3A_29, %dma_wait3A_74] : memref<16384x128xf32, #tpu.memory_space<hbm>> -> memref<128x128xf32, #tpu.memory_space<hbm>>
    %dma_wait3A_76 = arith.constant 0 : i32
    %dma_wait3A_77 = tpu.memref_slice %arg5[%add3A_29, %dma_wait3A_76] : memref<16384x128xf32, #tpu.memory_space<hbm>> -> memref<128x128xf32, #tpu.memory_space<hbm>>
    tpu.wait_dma2 semaphore(%arg20 : memref<!tpu.dma_semaphore, #tpu.memory_space<semaphore_mem>>) src(%arg14 : memref<128x128xf32, #tpu.memory_space<vmem>>) dst(%dma_wait3A_77 : memref<128x128xf32, #tpu.memory_space<hbm>>)
    %scan3A_78 = arith.constant 0 : i32
    %scan3A_79 = arith.constant 0 : i32
    %scan3A_80 = arith.constant 128 : i32
    %scan3A_81 = arith.addi %scan3A_79, %scan3A_80 : i32
    %scan3A_82 = arith.constant 1 : i32
    scf.for %scan3A_120 = %scan3A_79 to %scan3A_81 step %scan3A_82  : i32 {
      %get3A = arith.index_cast %scan3A_120 : i32 to index
      %get3A_121 = arith.constant 0 : index
      %get3A_122 = tpu.vector_load %arg10[%get3A, %get3A_121] {strides = array<i32>} : memref<128x128xf32, #tpu.memory_space<vmem>>, vector<1x16xf32>,
      %get3A_123 = vector.shape_cast %get3A_122 : vector<1x16xf32> to vector<16xf32>
      %get3A_124 = arith.index_cast %scan3A_120 : i32 to index
      %get3A_125 = arith.constant 0 : index
      %get3A_126 = tpu.vector_load %arg12[%get3A_124, %get3A_125] {strides = array<i32>} : memref<128x128xf32, #tpu.memory_space<vmem>>, vector<1x16xf32>,
      %get3A_127 = vector.shape_cast %get3A_126 : vector<1x16xf32> to vector<16xf32>
      %add3A_128 = arith.addf %get3A_123, %get3A_127 : vector<16xf32>
      %swap3A = arith.index_cast %scan3A_120 : i32 to index
      %swap3A_129 = arith.constant 0 : index
      %swap3A_130 = tpu.vector_load %arg14[%swap3A, %swap3A_129] {strides = array<i32>} : memref<128x128xf32, #tpu.memory_space<vmem>>, vector<1x16xf32>,
      %swap3A_131 = vector.shape_cast %swap3A_130 : vector<1x16xf32> to vector<16xf32>
      %swap3A_132 = vector.shape_cast %add3A_128 : vector<16xf32> to vector<1x16xf32>
      tpu.vector_store %arg14[%swap3A, %swap3A_129], %swap3A_132 {strides = array<i32>} : memref<128x128xf32, #tpu.memory_space<vmem>>, vector<1x16xf32>,
      %get3A_133 = arith.index_cast %scan3A_120 : i32 to index
      %get3A_134 = arith.constant 16 : index
      %get3A_135 = tpu.vector_load %arg10[%get3A_133, %get3A_134] {strides = array<i32>} : memref<128x128xf32, #tpu.memory_space<vmem>>, vector<1x16xf32>,
      %get3A_136 = vector.shape_cast %get3A_135 : vector<1x16xf32> to vector<16xf32>
      %get3A_137 = arith.index_cast %scan3A_120 : i32 to index
      %get3A_138 = arith.constant 16 : index
      %get3A_139 = tpu.vector_load %arg12[%get3A_137, %get3A_138] {strides = array<i32>} : memref<128x128xf32, #tpu.memory_space<vmem>>, vector<1x16xf32>,
      %get3A_140 = vector.shape_cast %get3A_139 : vector<1x16xf32> to vector<16xf32>
      %add3A_141 = arith.addf %get3A_136, %get3A_140 : vector<16xf32>
      %swap3A_142 = arith.index_cast %scan3A_120 : i32 to index
      %swap3A_143 = arith.constant 16 : index
      %swap3A_144 = tpu.vector_load %arg14[%swap3A_142, %swap3A_143] {strides = array<i32>} : memref<128x128xf32, #tpu.memory_space<vmem>>, vector<1x16xf32>,
      %swap3A_145 = vector.shape_cast %swap3A_144 : vector<1x16xf32> to vector<16xf32>
      %swap3A_146 = vector.shape_cast %add3A_141 : vector<16xf32> to vector<1x16xf32>
      tpu.vector_store %arg14[%swap3A_142, %swap3A_143], %swap3A_146 {strides = array<i32>} : memref<128x128xf32, #tpu.memory_space<vmem>>, vector<1x16xf32>,
      %get3A_147 = arith.index_cast %scan3A_120 : i32 to index
      %get3A_148 = arith.constant 32 : index
      %get3A_149 = tpu.vector_load %arg10[%get3A_147, %get3A_148] {strides = array<i32>} : memref<128x128xf32, #tpu.memory_space<vmem>>, vector<1x16xf32>,
      %get3A_150 = vector.shape_cast %get3A_149 : vector<1x16xf32> to vector<16xf32>
      %get3A_151 = arith.index_cast %scan3A_120 : i32 to index
      %get3A_152 = arith.constant 32 : index
      %get3A_153 = tpu.vector_load %arg12[%get3A_151, %get3A_152] {strides = array<i32>} : memref<128x128xf32, #tpu.memory_space<vmem>>, vector<1x16xf32>,
      %get3A_154 = vector.shape_cast %get3A_153 : vector<1x16xf32> to vector<16xf32>
      %add3A_155 = arith.addf %get3A_150, %get3A_154 : vector<16xf32>
      %swap3A_156 = arith.index_cast %scan3A_120 : i32 to index
      %swap3A_157 = arith.constant 32 : index
      %swap3A_158 = tpu.vector_load %arg14[%swap3A_156, %swap3A_157] {strides = array<i32>} : memref<128x128xf32, #tpu.memory_space<vmem>>, vector<1x16xf32>,
      %swap3A_159 = vector.shape_cast %swap3A_158 : vector<1x16xf32> to vector<16xf32>
      %swap3A_160 = vector.shape_cast %add3A_155 : vector<16xf32> to vector<1x16xf32>
      tpu.vector_store %arg14[%swap3A_156, %swap3A_157], %swap3A_160 {strides = array<i32>} : memref<128x128xf32, #tpu.memory_space<vmem>>, vector<1x16xf32>,
      %get3A_161 = arith.index_cast %scan3A_120 : i32 to index
      %get3A_162 = arith.constant 48 : index
      %get3A_163 = tpu.vector_load %arg10[%get3A_161, %get3A_162] {strides = array<i32>} : memref<128x128xf32, #tpu.memory_space<vmem>>, vector<1x16xf32>,
      %get3A_164 = vector.shape_cast %get3A_163 : vector<1x16xf32> to vector<16xf32>
      %get3A_165 = arith.index_cast %scan3A_120 : i32 to index
      %get3A_166 = arith.constant 48 : index
      %get3A_167 = tpu.vector_load %arg12[%get3A_165, %get3A_166] {strides = array<i32>} : memref<128x128xf32, #tpu.memory_space<vmem>>, vector<1x16xf32>,
      %get3A_168 = vector.shape_cast %get3A_167 : vector<1x16xf32> to vector<16xf32>
      %add3A_169 = arith.addf %get3A_164, %get3A_168 : vector<16xf32>
      %swap3A_170 = arith.index_cast %scan3A_120 : i32 to index
      %swap3A_171 = arith.constant 48 : index
      %swap3A_172 = tpu.vector_load %arg14[%swap3A_170, %swap3A_171] {strides = array<i32>} : memref<128x128xf32, #tpu.memory_space<vmem>>, vector<1x16xf32>,
      %swap3A_173 = vector.shape_cast %swap3A_172 : vector<1x16xf32> to vector<16xf32>
      %swap3A_174 = vector.shape_cast %add3A_169 : vector<16xf32> to vector<1x16xf32>
      tpu.vector_store %arg14[%swap3A_170, %swap3A_171], %swap3A_174 {strides = array<i32>} : memref<128x128xf32, #tpu.memory_space<vmem>>, vector<1x16xf32>,
      %get3A_175 = arith.index_cast %scan3A_120 : i32 to index
      %get3A_176 = arith.constant 64 : index
      %get3A_177 = tpu.vector_load %arg10[%get3A_175, %get3A_176] {strides = array<i32>} : memref<128x128xf32, #tpu.memory_space<vmem>>, vector<1x16xf32>,
      %get3A_178 = vector.shape_cast %get3A_177 : vector<1x16xf32> to vector<16xf32>
      %get3A_179 = arith.index_cast %scan3A_120 : i32 to index
      %get3A_180 = arith.constant 64 : index
      %get3A_181 = tpu.vector_load %arg12[%get3A_179, %get3A_180] {strides = array<i32>} : memref<128x128xf32, #tpu.memory_space<vmem>>, vector<1x16xf32>,
      %get3A_182 = vector.shape_cast %get3A_181 : vector<1x16xf32> to vector<16xf32>
      %add3A_183 = arith.addf %get3A_178, %get3A_182 : vector<16xf32>
      %swap3A_184 = arith.index_cast %scan3A_120 : i32 to index
      %swap3A_185 = arith.constant 64 : index
      %swap3A_186 = tpu.vector_load %arg14[%swap3A_184, %swap3A_185] {strides = array<i32>} : memref<128x128xf32, #tpu.memory_space<vmem>>, vector<1x16xf32>,
      %swap3A_187 = vector.shape_cast %swap3A_186 : vector<1x16xf32> to vector<16xf32>
      %swap3A_188 = vector.shape_cast %add3A_183 : vector<16xf32> to vector<1x16xf32>
      tpu.vector_store %arg14[%swap3A_184, %swap3A_185], %swap3A_188 {strides = array<i32>} : memref<128x128xf32, #tpu.memory_space<vmem>>, vector<1x16xf32>,
      %get3A_189 = arith.index_cast %scan3A_120 : i32 to index
      %get3A_190 = arith.constant 80 : index
      %get3A_191 = tpu.vector_load %arg10[%get3A_189, %get3A_190] {strides = array<i32>} : memref<128x128xf32, #tpu.memory_space<vmem>>, vector<1x16xf32>,
      %get3A_192 = vector.shape_cast %get3A_191 : vector<1x16xf32> to vector<16xf32>
      %get3A_193 = arith.index_cast %scan3A_120 : i32 to index
      %get3A_194 = arith.constant 80 : index
      %get3A_195 = tpu.vector_load %arg12[%get3A_193, %get3A_194] {strides = array<i32>} : memref<128x128xf32, #tpu.memory_space<vmem>>, vector<1x16xf32>,
      %get3A_196 = vector.shape_cast %get3A_195 : vector<1x16xf32> to vector<16xf32>
      %add3A_197 = arith.addf %get3A_192, %get3A_196 : vector<16xf32>
      %swap3A_198 = arith.index_cast %scan3A_120 : i32 to index
      %swap3A_199 = arith.constant 80 : index
      %swap3A_200 = tpu.vector_load %arg14[%swap3A_198, %swap3A_199] {strides = array<i32>} : memref<128x128xf32, #tpu.memory_space<vmem>>, vector<1x16xf32>,
      %swap3A_201 = vector.shape_cast %swap3A_200 : vector<1x16xf32> to vector<16xf32>
      %swap3A_202 = vector.shape_cast %add3A_197 : vector<16xf32> to vector<1x16xf32>
      tpu.vector_store %arg14[%swap3A_198, %swap3A_199], %swap3A_202 {strides = array<i32>} : memref<128x128xf32, #tpu.memory_space<vmem>>, vector<1x16xf32>,
      %get3A_203 = arith.index_cast %scan3A_120 : i32 to index
      %get3A_204 = arith.constant 96 : index
      %get3A_205 = tpu.vector_load %arg10[%get3A_203, %get3A_204] {strides = array<i32>} : memref<128x128xf32, #tpu.memory_space<vmem>>, vector<1x16xf32>,
      %get3A_206 = vector.shape_cast %get3A_205 : vector<1x16xf32> to vector<16xf32>
      %get3A_207 = arith.index_cast %scan3A_120 : i32 to index
      %get3A_208 = arith.constant 96 : index
      %get3A_209 = tpu.vector_load %arg12[%get3A_207, %get3A_208] {strides = array<i32>} : memref<128x128xf32, #tpu.memory_space<vmem>>, vector<1x16xf32>,
      %get3A_210 = vector.shape_cast %get3A_209 : vector<1x16xf32> to vector<16xf32>
      %add3A_211 = arith.addf %get3A_206, %get3A_210 : vector<16xf32>
      %swap3A_212 = arith.index_cast %scan3A_120 : i32 to index
      %swap3A_213 = arith.constant 96 : index
      %swap3A_214 = tpu.vector_load %arg14[%swap3A_212, %swap3A_213] {strides = array<i32>} : memref<128x128xf32, #tpu.memory_space<vmem>>, vector<1x16xf32>,
      %swap3A_215 = vector.shape_cast %swap3A_214 : vector<1x16xf32> to vector<16xf32>
      %swap3A_216 = vector.shape_cast %add3A_211 : vector<16xf32> to vector<1x16xf32>
      tpu.vector_store %arg14[%swap3A_212, %swap3A_213], %swap3A_216 {strides = array<i32>} : memref<128x128xf32, #tpu.memory_space<vmem>>, vector<1x16xf32>,
      %get3A_217 = arith.index_cast %scan3A_120 : i32 to index
      %get3A_218 = arith.constant 112 : index
      %get3A_219 = tpu.vector_load %arg10[%get3A_217, %get3A_218] {strides = array<i32>} : memref<128x128xf32, #tpu.memory_space<vmem>>, vector<1x16xf32>,
      %get3A_220 = vector.shape_cast %get3A_219 : vector<1x16xf32> to vector<16xf32>
      %get3A_221 = arith.index_cast %scan3A_120 : i32 to index
      %get3A_222 = arith.constant 112 : index
      %get3A_223 = tpu.vector_load %arg12[%get3A_221, %get3A_222] {strides = array<i32>} : memref<128x128xf32, #tpu.memory_space<vmem>>, vector<1x16xf32>,
      %get3A_224 = vector.shape_cast %get3A_223 : vector<1x16xf32> to vector<16xf32>
      %add3A_225 = arith.addf %get3A_220, %get3A_224 : vector<16xf32>
      %swap3A_226 = arith.index_cast %scan3A_120 : i32 to index
      %swap3A_227 = arith.constant 112 : index
      %swap3A_228 = tpu.vector_load %arg14[%swap3A_226, %swap3A_227] {strides = array<i32>} : memref<128x128xf32, #tpu.memory_space<vmem>>, vector<1x16xf32>,
      %swap3A_229 = vector.shape_cast %swap3A_228 : vector<1x16xf32> to vector<16xf32>
      %swap3A_230 = vector.shape_cast %add3A_225 : vector<16xf32> to vector<1x16xf32>
      tpu.vector_store %arg14[%swap3A_226, %swap3A_227], %swap3A_230 {strides = array<i32>} : memref<128x128xf32, #tpu.memory_space<vmem>>, vector<1x16xf32>,
    }
    %scan3A_83 = arith.constant 128 : i32
    %add3A_84 = arith.constant 256 : i32
    %add3A_85 = arith.addi %mul3A_2, %add3A_84 : i32
    %dma_start3A_86 = arith.constant 0 : i32
    %dma_start3A_87 = tpu.memref_slice %arg5[%add3A_85, %dma_start3A_86] : memref<16384x128xf32, #tpu.memory_space<hbm>> -> memref<128x128xf32, #tpu.memory_space<hbm>>
    %dma_start3A_88 = arith.constant 0 : i32
    %dma_start3A_89 = tpu.memref_slice %arg5[%add3A_85, %dma_start3A_88] : memref<16384x128xf32, #tpu.memory_space<hbm>> -> memref<128x128xf32, #tpu.memory_space<hbm>>
    tpu.enqueue_dma source(%arg14 : memref<128x128xf32, #tpu.memory_space<vmem>>) target(%dma_start3A_89 : memref<128x128xf32, #tpu.memory_space<hbm>>) target_semaphore(%arg20 : memref<!tpu.dma_semaphore, #tpu.memory_space<semaphore_mem>>)
    %dma_wait3A_90 = arith.constant 0 : i32
    %dma_wait3A_91 = arith.constant 0 : i32
    %dma_wait3A_92 = tpu.memref_slice %arg2[%dma_wait3A_90, %dma_wait3A_91] : memref<1000000x128xf32, #tpu.memory_space<hbm>> -> memref<1000000x128xf32, #tpu.memory_space<hbm>>
    tpu.wait_indirect_dma semaphore(%arg18 : memref<!tpu.dma_semaphore, #tpu.memory_space<semaphore_mem>>) src(%dma_wait3A_92 : memref<1000000x128xf32, #tpu.memory_space<hbm>>) dst(%arg11 : memref<128x128xf32, #tpu.memory_space<vmem>>)
    %dma_wait3A_93 = arith.constant 0 : i32
    %dma_wait3A_94 = arith.constant 0 : i32
    %dma_wait3A_95 = tpu.memref_slice %arg2[%dma_wait3A_93, %dma_wait3A_94] : memref<1000000x128xf32, #tpu.memory_space<hbm>> -> memref<1000000x128xf32, #tpu.memory_space<hbm>>
    tpu.wait_indirect_dma semaphore(%arg19 : memref<!tpu.dma_semaphore, #tpu.memory_space<semaphore_mem>>) src(%dma_wait3A_95 : memref<1000000x128xf32, #tpu.memory_space<hbm>>) dst(%arg13 : memref<128x128xf32, #tpu.memory_space<vmem>>)
    %dma_wait3A_96 = arith.constant 0 : i32
    %dma_wait3A_97 = tpu.memref_slice %arg5[%add3A_55, %dma_wait3A_96] : memref<16384x128xf32, #tpu.memory_space<hbm>> -> memref<128x128xf32, #tpu.memory_space<hbm>>
    %dma_wait3A_98 = arith.constant 0 : i32
    %dma_wait3A_99 = tpu.memref_slice %arg5[%add3A_55, %dma_wait3A_98] : memref<16384x128xf32, #tpu.memory_space<hbm>> -> memref<128x128xf32, #tpu.memory_space<hbm>>
    tpu.wait_dma2 semaphore(%arg21 : memref<!tpu.dma_semaphore, #tpu.memory_space<semaphore_mem>>) src(%arg15 : memref<128x128xf32, #tpu.memory_space<vmem>>) dst(%dma_wait3A_99 : memref<128x128xf32, #tpu.memory_space<hbm>>)
    %scan3A_100 = arith.constant 0 : i32
    %scan3A_101 = arith.constant 0 : i32
    %scan3A_102 = arith.constant 128 : i32
    %scan3A_103 = arith.addi %scan3A_101, %scan3A_102 : i32
    %scan3A_104 = arith.constant 1 : i32
    scf.for %scan3A_120 = %scan3A_101 to %scan3A_103 step %scan3A_104  : i32 {
      %get3A = arith.index_cast %scan3A_120 : i32 to index
      %get3A_121 = arith.constant 0 : index
      %get3A_122 = tpu.vector_load %arg11[%get3A, %get3A_121] {strides = array<i32>} : memref<128x128xf32, #tpu.memory_space<vmem>>, vector<1x16xf32>,
      %get3A_123 = vector.shape_cast %get3A_122 : vector<1x16xf32> to vector<16xf32>
      %get3A_124 = arith.index_cast %scan3A_120 : i32 to index
      %get3A_125 = arith.constant 0 : index
      %get3A_126 = tpu.vector_load %arg13[%get3A_124, %get3A_125] {strides = array<i32>} : memref<128x128xf32, #tpu.memory_space<vmem>>, vector<1x16xf32>,
      %get3A_127 = vector.shape_cast %get3A_126 : vector<1x16xf32> to vector<16xf32>
      %add3A_128 = arith.addf %get3A_123, %get3A_127 : vector<16xf32>
      %swap3A = arith.index_cast %scan3A_120 : i32 to index
      %swap3A_129 = arith.constant 0 : index
      %swap3A_130 = tpu.vector_load %arg15[%swap3A, %swap3A_129] {strides = array<i32>} : memref<128x128xf32, #tpu.memory_space<vmem>>, vector<1x16xf32>,
      %swap3A_131 = vector.shape_cast %swap3A_130 : vector<1x16xf32> to vector<16xf32>
      %swap3A_132 = vector.shape_cast %add3A_128 : vector<16xf32> to vector<1x16xf32>
      tpu.vector_store %arg15[%swap3A, %swap3A_129], %swap3A_132 {strides = array<i32>} : memref<128x128xf32, #tpu.memory_space<vmem>>, vector<1x16xf32>,
      %get3A_133 = arith.index_cast %scan3A_120 : i32 to index
      %get3A_134 = arith.constant 16 : index
      %get3A_135 = tpu.vector_load %arg11[%get3A_133, %get3A_134] {strides = array<i32>} : memref<128x128xf32, #tpu.memory_space<vmem>>, vector<1x16xf32>,
      %get3A_136 = vector.shape_cast %get3A_135 : vector<1x16xf32> to vector<16xf32>
      %get3A_137 = arith.index_cast %scan3A_120 : i32 to index
      %get3A_138 = arith.constant 16 : index
      %get3A_139 = tpu.vector_load %arg13[%get3A_137, %get3A_138] {strides = array<i32>} : memref<128x128xf32, #tpu.memory_space<vmem>>, vector<1x16xf32>,
      %get3A_140 = vector.shape_cast %get3A_139 : vector<1x16xf32> to vector<16xf32>
      %add3A_141 = arith.addf %get3A_136, %get3A_140 : vector<16xf32>
      %swap3A_142 = arith.index_cast %scan3A_120 : i32 to index
      %swap3A_143 = arith.constant 16 : index
      %swap3A_144 = tpu.vector_load %arg15[%swap3A_142, %swap3A_143] {strides = array<i32>} : memref<128x128xf32, #tpu.memory_space<vmem>>, vector<1x16xf32>,
      %swap3A_145 = vector.shape_cast %swap3A_144 : vector<1x16xf32> to vector<16xf32>
      %swap3A_146 = vector.shape_cast %add3A_141 : vector<16xf32> to vector<1x16xf32>
      tpu.vector_store %arg15[%swap3A_142, %swap3A_143], %swap3A_146 {strides = array<i32>} : memref<128x128xf32, #tpu.memory_space<vmem>>, vector<1x16xf32>,
      %get3A_147 = arith.index_cast %scan3A_120 : i32 to index
      %get3A_148 = arith.constant 32 : index
      %get3A_149 = tpu.vector_load %arg11[%get3A_147, %get3A_148] {strides = array<i32>} : memref<128x128xf32, #tpu.memory_space<vmem>>, vector<1x16xf32>,
      %get3A_150 = vector.shape_cast %get3A_149 : vector<1x16xf32> to vector<16xf32>
      %get3A_151 = arith.index_cast %scan3A_120 : i32 to index
      %get3A_152 = arith.constant 32 : index
      %get3A_153 = tpu.vector_load %arg13[%get3A_151, %get3A_152] {strides = array<i32>} : memref<128x128xf32, #tpu.memory_space<vmem>>, vector<1x16xf32>,
      %get3A_154 = vector.shape_cast %get3A_153 : vector<1x16xf32> to vector<16xf32>
      %add3A_155 = arith.addf %get3A_150, %get3A_154 : vector<16xf32>
      %swap3A_156 = arith.index_cast %scan3A_120 : i32 to index
      %swap3A_157 = arith.constant 32 : index
      %swap3A_158 = tpu.vector_load %arg15[%swap3A_156, %swap3A_157] {strides = array<i32>} : memref<128x128xf32, #tpu.memory_space<vmem>>, vector<1x16xf32>,
      %swap3A_159 = vector.shape_cast %swap3A_158 : vector<1x16xf32> to vector<16xf32>
      %swap3A_160 = vector.shape_cast %add3A_155 : vector<16xf32> to vector<1x16xf32>
      tpu.vector_store %arg15[%swap3A_156, %swap3A_157], %swap3A_160 {strides = array<i32>} : memref<128x128xf32, #tpu.memory_space<vmem>>, vector<1x16xf32>,
      %get3A_161 = arith.index_cast %scan3A_120 : i32 to index
      %get3A_162 = arith.constant 48 : index
      %get3A_163 = tpu.vector_load %arg11[%get3A_161, %get3A_162] {strides = array<i32>} : memref<128x128xf32, #tpu.memory_space<vmem>>, vector<1x16xf32>,
      %get3A_164 = vector.shape_cast %get3A_163 : vector<1x16xf32> to vector<16xf32>
      %get3A_165 = arith.index_cast %scan3A_120 : i32 to index
      %get3A_166 = arith.constant 48 : index
      %get3A_167 = tpu.vector_load %arg13[%get3A_165, %get3A_166] {strides = array<i32>} : memref<128x128xf32, #tpu.memory_space<vmem>>, vector<1x16xf32>,
      %get3A_168 = vector.shape_cast %get3A_167 : vector<1x16xf32> to vector<16xf32>
      %add3A_169 = arith.addf %get3A_164, %get3A_168 : vector<16xf32>
      %swap3A_170 = arith.index_cast %scan3A_120 : i32 to index
      %swap3A_171 = arith.constant 48 : index
      %swap3A_172 = tpu.vector_load %arg15[%swap3A_170, %swap3A_171] {strides = array<i32>} : memref<128x128xf32, #tpu.memory_space<vmem>>, vector<1x16xf32>,
      %swap3A_173 = vector.shape_cast %swap3A_172 : vector<1x16xf32> to vector<16xf32>
      %swap3A_174 = vector.shape_cast %add3A_169 : vector<16xf32> to vector<1x16xf32>
      tpu.vector_store %arg15[%swap3A_170, %swap3A_171], %swap3A_174 {strides = array<i32>} : memref<128x128xf32, #tpu.memory_space<vmem>>, vector<1x16xf32>,
      %get3A_175 = arith.index_cast %scan3A_120 : i32 to index
      %get3A_176 = arith.constant 64 : index
      %get3A_177 = tpu.vector_load %arg11[%get3A_175, %get3A_176] {strides = array<i32>} : memref<128x128xf32, #tpu.memory_space<vmem>>, vector<1x16xf32>,
      %get3A_178 = vector.shape_cast %get3A_177 : vector<1x16xf32> to vector<16xf32>
      %get3A_179 = arith.index_cast %scan3A_120 : i32 to index
      %get3A_180 = arith.constant 64 : index
      %get3A_181 = tpu.vector_load %arg13[%get3A_179, %get3A_180] {strides = array<i32>} : memref<128x128xf32, #tpu.memory_space<vmem>>, vector<1x16xf32>,
      %get3A_182 = vector.shape_cast %get3A_181 : vector<1x16xf32> to vector<16xf32>
      %add3A_183 = arith.addf %get3A_178, %get3A_182 : vector<16xf32>
      %swap3A_184 = arith.index_cast %scan3A_120 : i32 to index
      %swap3A_185 = arith.constant 64 : index
      %swap3A_186 = tpu.vector_load %arg15[%swap3A_184, %swap3A_185] {strides = array<i32>} : memref<128x128xf32, #tpu.memory_space<vmem>>, vector<1x16xf32>,
      %swap3A_187 = vector.shape_cast %swap3A_186 : vector<1x16xf32> to vector<16xf32>
      %swap3A_188 = vector.shape_cast %add3A_183 : vector<16xf32> to vector<1x16xf32>
      tpu.vector_store %arg15[%swap3A_184, %swap3A_185], %swap3A_188 {strides = array<i32>} : memref<128x128xf32, #tpu.memory_space<vmem>>, vector<1x16xf32>,
      %get3A_189 = arith.index_cast %scan3A_120 : i32 to index
      %get3A_190 = arith.constant 80 : index
      %get3A_191 = tpu.vector_load %arg11[%get3A_189, %get3A_190] {strides = array<i32>} : memref<128x128xf32, #tpu.memory_space<vmem>>, vector<1x16xf32>,
      %get3A_192 = vector.shape_cast %get3A_191 : vector<1x16xf32> to vector<16xf32>
      %get3A_193 = arith.index_cast %scan3A_120 : i32 to index
      %get3A_194 = arith.constant 80 : index
      %get3A_195 = tpu.vector_load %arg13[%get3A_193, %get3A_194] {strides = array<i32>} : memref<128x128xf32, #tpu.memory_space<vmem>>, vector<1x16xf32>,
      %get3A_196 = vector.shape_cast %get3A_195 : vector<1x16xf32> to vector<16xf32>
      %add3A_197 = arith.addf %get3A_192, %get3A_196 : vector<16xf32>
      %swap3A_198 = arith.index_cast %scan3A_120 : i32 to index
      %swap3A_199 = arith.constant 80 : index
      %swap3A_200 = tpu.vector_load %arg15[%swap3A_198, %swap3A_199] {strides = array<i32>} : memref<128x128xf32, #tpu.memory_space<vmem>>, vector<1x16xf32>,
      %swap3A_201 = vector.shape_cast %swap3A_200 : vector<1x16xf32> to vector<16xf32>
      %swap3A_202 = vector.shape_cast %add3A_197 : vector<16xf32> to vector<1x16xf32>
      tpu.vector_store %arg15[%swap3A_198, %swap3A_199], %swap3A_202 {strides = array<i32>} : memref<128x128xf32, #tpu.memory_space<vmem>>, vector<1x16xf32>,
      %get3A_203 = arith.index_cast %scan3A_120 : i32 to index
      %get3A_204 = arith.constant 96 : index
      %get3A_205 = tpu.vector_load %arg11[%get3A_203, %get3A_204] {strides = array<i32>} : memref<128x128xf32, #tpu.memory_space<vmem>>, vector<1x16xf32>,
      %get3A_206 = vector.shape_cast %get3A_205 : vector<1x16xf32> to vector<16xf32>
      %get3A_207 = arith.index_cast %scan3A_120 : i32 to index
      %get3A_208 = arith.constant 96 : index
      %get3A_209 = tpu.vector_load %arg13[%get3A_207, %get3A_208] {strides = array<i32>} : memref<128x128xf32, #tpu.memory_space<vmem>>, vector<1x16xf32>,
      %get3A_210 = vector.shape_cast %get3A_209 : vector<1x16xf32> to vector<16xf32>
      %add3A_211 = arith.addf %get3A_206, %get3A_210 : vector<16xf32>
      %swap3A_212 = arith.index_cast %scan3A_120 : i32 to index
      %swap3A_213 = arith.constant 96 : index
      %swap3A_214 = tpu.vector_load %arg15[%swap3A_212, %swap3A_213] {strides = array<i32>} : memref<128x128xf32, #tpu.memory_space<vmem>>, vector<1x16xf32>,
      %swap3A_215 = vector.shape_cast %swap3A_214 : vector<1x16xf32> to vector<16xf32>
      %swap3A_216 = vector.shape_cast %add3A_211 : vector<16xf32> to vector<1x16xf32>
      tpu.vector_store %arg15[%swap3A_212, %swap3A_213], %swap3A_216 {strides = array<i32>} : memref<128x128xf32, #tpu.memory_space<vmem>>, vector<1x16xf32>,
      %get3A_217 = arith.index_cast %scan3A_120 : i32 to index
      %get3A_218 = arith.constant 112 : index
      %get3A_219 = tpu.vector_load %arg11[%get3A_217, %get3A_218] {strides = array<i32>} : memref<128x128xf32, #tpu.memory_space<vmem>>, vector<1x16xf32>,
      %get3A_220 = vector.shape_cast %get3A_219 : vector<1x16xf32> to vector<16xf32>
      %get3A_221 = arith.index_cast %scan3A_120 : i32 to index
      %get3A_222 = arith.constant 112 : index
      %get3A_223 = tpu.vector_load %arg13[%get3A_221, %get3A_222] {strides = array<i32>} : memref<128x128xf32, #tpu.memory_space<vmem>>, vector<1x16xf32>,
      %get3A_224 = vector.shape_cast %get3A_223 : vector<1x16xf32> to vector<16xf32>
      %add3A_225 = arith.addf %get3A_220, %get3A_224 : vector<16xf32>
      %swap3A_226 = arith.index_cast %scan3A_120 : i32 to index
      %swap3A_227 = arith.constant 112 : index
      %swap3A_228 = tpu.vector_load %arg15[%swap3A_226, %swap3A_227] {strides = array<i32>} : memref<128x128xf32, #tpu.memory_space<vmem>>, vector<1x16xf32>,
      %swap3A_229 = vector.shape_cast %swap3A_228 : vector<1x16xf32> to vector<16xf32>
      %swap3A_230 = vector.shape_cast %add3A_225 : vector<16xf32> to vector<1x16xf32>
      tpu.vector_store %arg15[%swap3A_226, %swap3A_227], %swap3A_230 {strides = array<i32>} : memref<128x128xf32, #tpu.memory_space<vmem>>, vector<1x16xf32>,
    }
    %scan3A_105 = arith.constant 128 : i32
    %add3A_106 = arith.constant 384 : i32
    %add3A_107 = arith.addi %mul3A_2, %add3A_106 : i32
    %dma_start3A_108 = arith.constant 0 : i32
    %dma_start3A_109 = tpu.memref_slice %arg5[%add3A_107, %dma_start3A_108] : memref<16384x128xf32, #tpu.memory_space<hbm>> -> memref<128x128xf32, #tpu.memory_space<hbm>>
    %dma_start3A_110 = arith.constant 0 : i32
    %dma_start3A_111 = tpu.memref_slice %arg5[%add3A_107, %dma_start3A_110] : memref<16384x128xf32, #tpu.memory_space<hbm>> -> memref<128x128xf32, #tpu.memory_space<hbm>>
    tpu.enqueue_dma source(%arg15 : memref<128x128xf32, #tpu.memory_space<vmem>>) target(%dma_start3A_111 : memref<128x128xf32, #tpu.memory_space<hbm>>) target_semaphore(%arg21 : memref<!tpu.dma_semaphore, #tpu.memory_space<semaphore_mem>>)
    %dma_wait3A_112 = arith.constant 0 : i32
    %dma_wait3A_113 = tpu.memref_slice %arg5[%add3A_85, %dma_wait3A_112] : memref<16384x128xf32, #tpu.memory_space<hbm>> -> memref<128x128xf32, #tpu.memory_space<hbm>>
    %dma_wait3A_114 = arith.constant 0 : i32
    %dma_wait3A_115 = tpu.memref_slice %arg5[%add3A_85, %dma_wait3A_114] : memref<16384x128xf32, #tpu.memory_space<hbm>> -> memref<128x128xf32, #tpu.memory_space<hbm>>
    tpu.wait_dma2 semaphore(%arg20 : memref<!tpu.dma_semaphore, #tpu.memory_space<semaphore_mem>>) src(%arg14 : memref<128x128xf32, #tpu.memory_space<vmem>>) dst(%dma_wait3A_115 : memref<128x128xf32, #tpu.memory_space<hbm>>)
    %dma_wait3A_116 = arith.constant 0 : i32
    %dma_wait3A_117 = tpu.memref_slice %arg5[%add3A_107, %dma_wait3A_116] : memref<16384x128xf32, #tpu.memory_space<hbm>> -> memref<128x128xf32, #tpu.memory_space<hbm>>
    %dma_wait3A_118 = arith.constant 0 : i32
    %dma_wait3A_119 = tpu.memref_slice %arg5[%add3A_107, %dma_wait3A_118] : memref<16384x128xf32, #tpu.memory_space<hbm>> -> memref<128x128xf32, #tpu.memory_space<hbm>>
    tpu.wait_dma2 semaphore(%arg21 : memref<!tpu.dma_semaphore, #tpu.memory_space<semaphore_mem>>) src(%arg15 : memref<128x128xf32, #tpu.memory_space<vmem>>) dst(%dma_wait3A_119 : memref<128x128xf32, #tpu.memory_space<hbm>>)
    return
  }
}

module attributes {stable_mosaic.version = 14 : i64} {
  func.func @_mlp_body(%arg0: i32, %arg1: memref<4096x128xf32, #tpu.memory_space<vmem>>, %arg2: memref<16x128xf32, #tpu.memory_space<vmem>>, %arg3: memref<16x1xf32, #tpu.memory_space<vmem>>, %arg4: memref<1x16xf32, #tpu.memory_space<vmem>>, %arg5: memref<1x1xf32, #tpu.memory_space<vmem>>, %arg6: memref<1x4096xf32, #tpu.memory_space<vmem>>) attributes {dimension_semantics = [#tpu.dimension_semantics<arbitrary>], iteration_bounds = array<i64: 4>, scalar_prefetch = 0 : i64, scratch_operands = 0 : i64, tpu.core_type = #tpu.core_type<tc>, window_params = [{transform_indices = @transform_0, window_bounds = array<i64: 4096, 128>}, {pipeline_mode = #tpu.pipeline_mode<synchronous>, transform_indices = @transform_1, window_bounds = array<i64: 16, 128>}, {pipeline_mode = #tpu.pipeline_mode<synchronous>, transform_indices = @transform_2, window_bounds = array<i64: 16, 1>}, {pipeline_mode = #tpu.pipeline_mode<synchronous>, transform_indices = @transform_3, window_bounds = array<i64: 1, 16>}, {pipeline_mode = #tpu.pipeline_mode<synchronous>, transform_indices = @transform_4, window_bounds = array<i64: 1, 1>}, {transform_indices = @transform_5, window_bounds = array<i64: 1, 4096>}]} {
    %get3A = arith.constant 0 : index
    %get3A_0 = arith.constant 0 : index
    %get3A_1 = vector.load %arg1[%get3A, %get3A_0] : memref<4096x128xf32, #tpu.memory_space<vmem>>, vector<4096x128xf32>
    %get3A_2 = arith.constant 0 : index
    %get3A_3 = arith.constant 0 : index
    %get3A_4 = vector.load %arg2[%get3A_2, %get3A_3] : memref<16x128xf32, #tpu.memory_space<vmem>>, vector<16x128xf32>
    %dot_general3A = arith.constant dense<0.000000e+00> : vector<16x4096xf32>
    %dot_general3A_5 = tpu.matmul %get3A_4, %get3A_1, %dot_general3A {dimension_numbers = #tpu.dot_dimension_numbers<[1], [1], [0], [0], [0, 0, 1, 0], [], []>, transpose_lhs_hint = false} : vector<16x128xf32>, vector<4096x128xf32>, vector<16x4096xf32> -> vector<16x4096xf32>
    %get3A_6 = arith.constant 0 : index
    %get3A_7 = arith.constant 0 : index
    %get3A_8 = vector.load %arg3[%get3A_6, %get3A_7] : memref<16x1xf32, #tpu.memory_space<vmem>>, vector<16x1xf32>
    %add3A = vector.broadcast %get3A_8 : vector<16x1xf32> to vector<16x4096xf32>
    %add3A_9 = arith.addf %dot_general3A_5, %add3A : vector<16x4096xf32>
    %max3A = arith.constant 0.000000e+00 : f32
    %max3A_10 = vector.broadcast %max3A : f32 to vector<16x4096xf32>
    %max3A_11 = arith.maximumf %add3A_9, %max3A_10 : vector<16x4096xf32>
    %get3A_12 = arith.constant 0 : index
    %get3A_13 = arith.constant 0 : index
    %get3A_14 = vector.load %arg4[%get3A_12, %get3A_13] : memref<1x16xf32, #tpu.memory_space<vmem>>, vector<1x16xf32>
    %dot_general3A_15 = arith.constant dense<0.000000e+00> : vector<1x4096xf32>
    %dot_general3A_16 = tpu.matmul %get3A_14, %max3A_11, %dot_general3A_15 {dimension_numbers = #tpu.dot_dimension_numbers<[1], [0], [0], [1], [0, 0, 1, 1], [], []>, transpose_lhs_hint = false} : vector<1x16xf32>, vector<16x4096xf32>, vector<1x4096xf32> -> vector<1x4096xf32>
    %get3A_17 = arith.constant 0 : index
    %get3A_18 = arith.constant 0 : index
    %get3A_19 = vector.load %arg5[%get3A_17, %get3A_18] : memref<1x1xf32, #tpu.memory_space<vmem>>, vector<1x1xf32>
    %get3A_20 = vector.extract %get3A_19[0, 0] : f32 from vector<1x1xf32>
    %add3A_21 = vector.broadcast %get3A_20 : f32 to vector<1x4096xf32>
    %add3A_22 = arith.addf %dot_general3A_16, %add3A_21 : vector<1x4096xf32>
    %logistic3A = arith.negf %add3A_22 : vector<1x4096xf32>
    %logistic3A_23 = math.exp %logistic3A : vector<1x4096xf32>
    %logistic3A_24 = arith.constant 1.000000e+00 : f32
    %logistic3A_25 = vector.broadcast %logistic3A_24 : f32 to vector<1x4096xf32>
    %logistic3A_26 = arith.addf %logistic3A_25, %logistic3A_23 : vector<1x4096xf32>
    %logistic3A_27 = arith.divf %logistic3A_25, %logistic3A_26 : vector<1x4096xf32>
    %max3A_28 = arith.constant 0.000000e+00 : f32
    %max3A_29 = vector.broadcast %max3A_28 : f32 to vector<1x4096xf32>
    %max3A_30 = arith.maximumf %logistic3A_27, %max3A_29 : vector<1x4096xf32>
    %swap3A = arith.constant 0 : index
    %swap3A_31 = arith.constant 0 : index
    %swap3A_32 = vector.load %arg6[%swap3A, %swap3A_31] : memref<1x4096xf32, #tpu.memory_space<vmem>>, vector<1x4096xf32>
    tpu.vector_store %arg6[%swap3A, %swap3A_31], %max3A_30 {strides = array<i32>} : memref<1x4096xf32, #tpu.memory_space<vmem>>, vector<1x4096xf32>,
    return
  }
  func.func @transform_0(%arg0: i32) -> (i32, i32) {
    %c0_i32 = arith.constant 0 : i32
    %c0_i32_0 = arith.constant 0 : i32
    return %arg0, %c0_i32 : i32, i32
  }
  func.func @transform_1(%arg0: i32) -> (i32, i32) {
    %c0_i32 = arith.constant 0 : i32
    %c0_i32_0 = arith.constant 0 : i32
    %c0_i32_1 = arith.constant 0 : i32
    return %c0_i32, %c0_i32_0 : i32, i32
  }
  func.func @transform_2(%arg0: i32) -> (i32, i32) {
    %c0_i32 = arith.constant 0 : i32
    %c0_i32_0 = arith.constant 0 : i32
    %c0_i32_1 = arith.constant 0 : i32
    return %c0_i32, %c0_i32_0 : i32, i32
  }
  func.func @transform_3(%arg0: i32) -> (i32, i32) {
    %c0_i32 = arith.constant 0 : i32
    %c0_i32_0 = arith.constant 0 : i32
    %c0_i32_1 = arith.constant 0 : i32
    return %c0_i32, %c0_i32_0 : i32, i32
  }
  func.func @transform_4(%arg0: i32) -> (i32, i32) {
    %c0_i32 = arith.constant 0 : i32
    %c0_i32_0 = arith.constant 0 : i32
    %c0_i32_1 = arith.constant 0 : i32
    return %c0_i32, %c0_i32_0 : i32, i32
  }
  func.func @transform_5(%arg0: i32) -> (i32, i32) {
    %c0_i32 = arith.constant 0 : i32
    %c0_i32_0 = arith.constant 0 : i32
    return %c0_i32, %arg0 : i32, i32
  }
}

</mosaic_0001>

<sc_bundles>
// kernel: kernel.4.cloned.1.call-start
scs
__scs_entry_jumppad:
0x0: {  	(pc) =	sbr.rel $0x88, $3  }
0x1: {  	(tag) =	ssettag $0x0;
	lr =	simm.s32 $0x1  }
0x2: {  	[smem:$0x3F9B] =	sst lr;
	_ =	strace $0xD0000000  }
0x3: {  	_ = 	snop  }
0x4: {  	_ = 	snop  }
0x5: {  	_ = 	snop  }
0x6: {  	_ = 	snop  }
0x7: {  	_ = 	snop  }
__scs_overlays_trampoline_lowered:
0x8: {  	[smem:$0x3FAA] =	sst s0  }
0x9: {  	[smem:$0x3FAB] =	sst s1  }
0xa: {  	[smem:$0x3FAC] =	sst s2  }
0xb: {  	[smem:$0x3FAD] =	sst s3  }
0xc: {  	[smem:$0x3FAE] =	sst s4  }
0xd: {  	[smem:$0x3FAF] =	sst s5  }
0xe: {  	[smem:$0x3FB0] =	sst s6  }
0xf: {  	[smem:$0x3FB1] =	sst s7  }
0x10: {  	[smem:$0x3FB2] =	sst s8  }
0x11: {  	[smem:$0x3FB3] =	sst s9;
	s0 =	simm.s32 @!p0 $0x0  }
0x12: {  	s1 =	sld [smem:$0x3F99];
	s0 =	simm.s32 @p0 $0x1  }
0x13: {  	[smem:$0x3FB4] =	sst s0;
	s0 =	simm.s32 @!p1 $0x0  }
0x14: {  	s2 =	sld [smem:$0x3F98];
	s0 =	simm.s32 @p1 $0x1  }
0x15: {  	[smem:$0x3FB5] =	sst s0;
	s0 =	simm.s32 @!p2 $0x0  }
0x16: {  	s3 =	sld [smem:$0x3FDB];
	s0 =	simm.s32 @p2 $0x1  }
0x17: {  	s4 =	simm.s32 $0x1BF5;
	[smem:$0x3FB7] =	sst s0  }
0x18: {  	s0 =	sld [smem:$0x3F9A];
	_ =	swait.ge [sflag:s4], $0x0  }
0x19: {  	s7 =	sld [smem:$0x3F9B]  }
0x1a: {  	s8 =	sadd.s32 $0xFFFFE003, lr  }
0x1b: {  	s9 =	sadd.s32 $0xFFFFFEF7, lr;
	s5 =	simm.s32 $0xFFFFFFFF;
	p2 =	slt.u32 s8, $0xFFFFF086  }
0x1c: {  	p1 =	slt.u32 s9, $0xF7A;
	s5 =	simm.s32 @!p2 $0x0  }
0x1d: {  	s5 =	simm.s32 @p1 $0x1;
	p0 =	seq.s32 s7, s2  }
0x1e: {  	s7 =	smul.u32 @!p0 $0xF7A, s2;
	p2 =	seq.s32 @!p0 s5, $0x0  }
0x1f: {  	s9 =	smul.u32 $0xF7A, s1;
	s8 =	simm.s32 @!p0 $0x1BF5;
	p2 =	por !p2, p0  }
0x20: {  	[sflag:s8] =	ssyncset.s32 @!p0 $0xFFFFF086;
	s6 =	sadd.s32 @!p0 s3, s7;
	s7 =	simm.s32 @!p0 $0x108  }
0x21: {  	s3 =	sadd.s32 s3, s9;
	s6 =	sadd.s32 @!p0 $0x88, s6;
	s7 =	simm.s32 @p2 $0x1082  }
0x22: {  	[simem:s7], [sflag:s8] =	dma.local @!p0 [hbm:s6], $0xF7A  }
0x23: {  	s9 =	sor.u32 $0xD0000000, s2;
	s6 =	simm.s32 $0x108;
	_ =	swait.ge @!p0 [sflag:s8], $0x0  }
0x24: {  	s3 =	sadd.s32 $0x88, s3;
	s6 =	simm.s32 @!p1 $0x1082;
	[sflag:s4] =	ssyncset.s32 $0xFFFFF086  }
0x25: {  	[simem:s6], [sflag:s4] =	dma.local [hbm:s3], $0xF7A  }
0x26: {  	[smem:$0x3F9B] =	sst s1;
	(tag) =	ssettag s2;
	_ =	strace s9  }
0x27: {  	s1 =	sld [smem:$0x3FAB]  }
0x28: {  	s2 =	sld [smem:$0x3FAC]  }
0x29: {  	s4 =	sld [smem:$0x3FAE]  }
0x2a: {  	p0 =	seq.s32 s5, $0x0;
	s5 =	sld [smem:$0x3FAF]  }
0x2b: {  	s6 =	sld [smem:$0x3FB0]  }
0x2c: {  	s7 =	sld [smem:$0x3FB1]  }
0x2d: {  	s3 =	simm.s32 $0x108;
	s8 =	sld [smem:$0x3FB2]  }
0x2e: {  	s3 =	simm.s32 @!p0 $0x1082;
	s9 =	sld [smem:$0x3FB3]  }
0x2f: {  	lr =	sadd.s32 s0, s3;
	s0 =	sld [smem:$0x3FAA]  }
0x30: {  	s3 =	sld [smem:$0x3FAD]  }
0x31: {  	[smem:$0x3FB6] =	sst s10  }
0x32: {  	s10 =	sld [smem:$0x3FB4];
	_ =	sdelay $0x3  }
0x33: {  	p0 =	seq.s32 s10, $0x1;
	s10 =	sld [smem:$0x3FB6];
	_ =	sdelay $0x3  }
0x34: {  	[smem:$0x3FB6] =	sst s10  }
0x35: {  	s10 =	sld [smem:$0x3FB5];
	_ =	sdelay $0x3  }
0x36: {  	p1 =	seq.s32 s10, $0x1;
	s10 =	sld [smem:$0x3FB6];
	_ =	sdelay $0x3  }
0x37: {  	[smem:$0x3FB6] =	sst s10  }
0x38: {  	s10 =	sld [smem:$0x3FB7]  }
0x39: {  	_ = 	snop;
	(pc) =	sbr.ind lr, $3  }
0x3a: {  	_ = 	snop  }
0x3b: {  	_ = 	snop  }
0x3c: {  	p2 =	seq.s32 s10, $0x1;
	s10 =	sld [smem:$0x3FB6]  }
0x3d: {  	_ =	shalt  }
0x3e: {  	_ =	shalt  }
0x3f: {  	_ =	shalt  }
0x40: {  	_ =	shalt  }
0x41: {  	_ =	shalt  }
0x42: {  	_ =	shalt  }
0x43: {  	_ =	shalt  }
0x44: {  	_ =	shalt  }
0x45: {  	_ =	shalt  }
0x46: {  	_ =	shalt  }
0x47: {  	_ =	shalt  }
0x48: {  	_ =	shalt  }
0x49: {  	_ =	shalt  }
0x4a: {  	_ =	shalt  }
0x4b: {  	_ =	shalt  }
0x4c: {  	_ =	shalt  }
0x4d: {  	_ =	shalt  }
0x4e: {  	_ =	shalt  }
0x4f: {  	_ =	shalt  }
0x50: {  	_ =	shalt  }
0x51: {  	_ =	shalt  }
0x52: {  	_ =	shalt  }
0x53: {  	_ =	shalt  }
0x54: {  	_ =	shalt  }
0x55: {  	_ =	shalt  }
0x56: {  	_ =	shalt  }
0x57: {  	_ =	shalt  }
0x58: {  	_ =	shalt  }
0x59: {  	_ =	shalt  }
0x5a: {  	_ =	shalt  }
0x5b: {  	_ =	shalt  }
0x5c: {  	_ =	shalt  }
0x5d: {  	_ =	shalt  }
0x5e: {  	_ =	shalt  }
0x5f: {  	_ =	shalt  }
0x60: {  	_ =	shalt  }
0x61: {  	_ =	shalt  }
0x62: {  	_ =	shalt  }
0x63: {  	_ =	shalt  }
0x64: {  	_ =	shalt  }
0x65: {  	_ =	shalt  }
0x66: {  	_ =	shalt  }
0x67: {  	_ =	shalt  }
0x68: {  	_ =	shalt  }
0x69: {  	_ =	shalt  }
0x6a: {  	_ =	shalt  }
0x6b: {  	_ =	shalt  }
0x6c: {  	_ =	shalt  }
0x6d: {  	_ =	shalt  }
0x6e: {  	_ =	shalt  }
0x6f: {  	_ =	shalt  }
0x70: {  	_ =	shalt  }
0x71: {  	_ =	shalt  }
0x72: {  	_ =	shalt  }
0x73: {  	_ =	shalt  }
0x74: {  	_ =	shalt  }
0x75: {  	_ =	shalt  }
0x76: {  	_ =	shalt  }
0x77: {  	_ =	shalt  }
0x78: {  	_ =	shalt  }
0x79: {  	_ =	shalt  }
0x7a: {  	_ =	shalt  }
0x7b: {  	_ =	shalt  }
0x7c: {  	_ =	shalt  }
0x7d: {  	_ =	shalt  }
0x7e: {  	_ =	shalt  }
0x7f: {  	_ =	shalt  }
0x80: {  	_ =	shalt  }
0x81: {  	_ =	shalt  }
0x82: {  	_ =	shalt  }
0x83: {  	_ =	shalt  }
0x84: {  	_ =	shalt  }
0x85: {  	_ =	shalt  }
0x86: {  	_ =	shalt  }
0x87: {  	_ =	shalt  }
.Lfunc_end0:
.L_simem_size_0:
called_computation_lowered:
.L_overlay_start_0:
0x88: {  	s2 =	sld [smem:$0x3FD9]  }
0x89: {  	s3 =	sld [smem:$0x3FFE];
	_ =	sdelay $0x1  }
0x8a: {  	s1 =	srdreg.scid  }
0x8b: {  	s0 =	sand.u32 $0x1, s1  }
0x8c: {  	s17 =	sshll.u32 s0, $0xA;
	s2 =	sadd.s32 s3, s2  }
0x8d: {  	s2 =	sadd.s32 s2, s17  }
0x8e: {  	[smem:$0x3FC2] =	sst s2  }
0x8f: {  	_ = 	snop  }
0x90: {  	s2 =	sld [smem:$0x3FC8]  }
0x91: {  	s18 =	sld [smem:$0x3FD0];
	(tm) =	ssettm $0x1  }
0x92: {  	s4 =	sld [smem:$0x3FFB];
	_ =	sdelay $0x3  }
0x93: {  	_ =	strace s4  }
0x94: {  	s4 =	sld [smem:$0x3FFC];
	_ =	sdelay $0x3  }
0x95: {  	_ =	strace s4  }
0x96: {  	s4 =	sld [smem:$0x3FFD];
	_ =	sdelay $0x3  }
0x97: {  	_ =	strace s4  }
0x98: {  	_ =	strace $0x8FFFFFFF  }
0x99: {  	s19 =	sld [smem:$0x3FDB];
	_ =	sdelay $0x1  }
0x9a: {  	s5 =	simm.s32 $_scs_section_size  }
0x9b: {  	s6 =	simm.s32 $_size__tile_overlayer_lowered;
	s7 =	simm.s32 $_tile_overlayer_lowered  }
0x9c: {  	s22 =	simm.s32 $0x1BFF;
	s21 =	sshll.u32 s7, $0x1;
	s4 =	sadd.s32 s5, s19  }
0x9d: {  	s8 =	simm.s32 $0x0;
	s20 =	sshll.u32 s6, $0x1;
	s6 =	sadd.s32 s21, s4  }
0x9e: {  	[timem:s8], [sflag:s22] =	dma.local [hbm:s6], s20  }
0x9f: {  	_ =	swait.ge [sflag:s22], s20  }
0xa0: {  	s5 =	ssub.s32 $0x0, s20;
	[sflag:s22] =	ssyncset.done $0x0  }
0xa1: {  	[sflag:s22] =	ssyncadd.s32 s5;
	_ =	sdelay $0x1  }
0xa2: {  	s23 =	simm.s32 $0x1B8B  }
0xa3: {  	_ =	swait.ge [sflag:s23], $0x1  }
0xa4: {  	[sflag:s23] =	ssyncset.done $0x0  }
0xa5: {  	s25 =	simm.s32 $0x1B8E;
	s24 =	sld [smem:$0x3FFE];
	[sflag:s23] =	ssyncadd.s32 $0xFFFFFFFF  }
0xa6: {  	s26 =	simm.s32 $execute0_lowered;
	[smem:$0x3FD2] =	sst s25  }
0xa7: {  	s6 =	sshll.u32 s26, $0x1;
	_ =	strace $0x80000046;
	[dreg:$0x1] =	wrdreg $0xFFFFFFFF  }
0xa8: {  	s28 =	simm.s32 $_size_execute0_lowered;
	s4 =	sadd.s32 s4, s6;
	[dreg:$0x0] =	wrdreg $0x0  }
0xa9: {  	s6 =	sshll.u32 s28, $0x1;
	[dreg:$0x2] =	wrdreg s4  }
0xaa: {  	[dreg:$0x3] =	wrdreg s6  }
0xab: {  	[dreg:$0x4] =	wrdreg $0xC0  }
0xac: {  	_ =	task [dreg:s8], $0x5FFFF  }
0xad: {  	[dreg:$0x1] =	wrdreg $0xFFFFFFFF  }
0xae: {  	[dreg:$0x0] =	wrdreg $0x60  }
0xaf: {  	[dreg:$0x2] =	wrdreg s2  }
0xb0: {  	[dreg:$0x3] =	wrdreg s24  }
0xb1: {  	[dreg:$0x4] =	wrdreg s18  }
0xb2: {  	[dreg:$0x5] =	wrdreg $0x9  }
0xb3: {  	_ =	task.clear_ibuf [dreg:s8], $0x6FFFF;
	_ =	strace $0x90000046  }
0xb4: {  	s29 =	simm.s32 $0x9;
	_ =	strace $0x80000048  }
0xb5: {  	_ =	swait.ge [sflag:s29], $0x1  }
0xb6: {  	[sflag:s29] =	ssyncadd.s32 $0xFFFFFFFF  }
0xb7: {  	_ =	strace $0x90000048  }
0xb8: {  	_ =	sfence  }
0xb9: {  	s30 =	sld [smem:$0x0];
	_ =	sdelay $0x2  }
0xba: {  	s31 =	sshll.u32 s1, $0xD;
	s1 =	sshrl.u32 s1, $0x2  }
0xbb: {  	s3 =	sand.u32 $0x4000, s31;
	s1 =	sadd.s32 s1, s30  }
0xbc: {  	s0 =	sor.u32 s3, s0;
	s1 =	sshll.u32 s1, $0x11  }
0xbd: {  	s0 =	sor.u32 s1, s0  }
0xbe: {  	s0 =	sadd.s32 $0x8F2B, s0  }
0xbf: {  	[sflag:s0] =	ssyncadd.remote.s32 $0x1  }
0xc0: {  	_ =	sfence.sel $0xFFFF  }
0xc1: {  	[dreg:$0x0] =	wrdreg $0xFFFFFFFF;
	(pc) =	sbr.abs _section_cstart, $3  }
0xc2: {  	[dreg:$0x1] =	wrdreg $0xFFFFFFFF  }
0xc3: {  	_ =	task.clear_ibuf [dreg:s8], $0x2FFFF;
	_ =	strace $0x9FFFFFFF  }
0xc4: {  	(tm) =	ssettm $0x7FFFFFFF  }
0xc5: {  	_ =	shalt  }
tec
execute0_lowered:
.L_overlay_start_1:
0x0: {  	(tag) =	ssettag $0x1  }
0x1: {  	s1 =	rddreg [dreg:$0x0]  }
0x2: {  	s0 =	rddreg [dreg:$0x1]  }
0x3: {  	s3 =	rddreg [dreg:$0x2];
	s2 =	simm.s32 $0x0;
	s4 =	srdreg.scid  }
0x4: {  	s7 =	stileid.u32;
	s17 =	simm.s32 $0x7;
	s18 =	simm.s32 $0x100  }
0x5: {  	s19 =	simm.s32 $0x80;
	s28 =	simm.s32 $0x10200;
	s29 =	simm.s32 $0x3  }
0x6: {  	s30 =	simm.s32 $0x4;
	s31 =	simm.s32 $0x14200;
	[smem:$0x7FF] =	sst s2  }
0x7: {  	s5 =	sadd.s32 $0xE00, s0;
	s4 =	sand.u32 $0x1, s4;
	s7 =	sshll.u32 s7, $0xA  }
0x8: {  	s0 =	sadd.s32 $0x1600, s0;
	s6 =	ssub.s32 $0x2, s4;
	s4 =	sshll.u32 s4, $0x9  }
0x9: {  	_ =	strace $0x80000047;
	s8 =	sshrl.u32 s6, $0x1;
	s4 =	sor.u32 s4, s7  }
0xa: {  	s6 =	ssub.s32 s6, s8;
	s7 =	sshrl.u32 s4, $0x3;
	s10 =	sor.u32 $0x80, s4  }
0xb: {  	s23 =	sshll.u32 s4, $0x4;
	s13 =	sor.u32 $0x100, s4;
	s4 =	sor.u32 $0x180, s4  }
0xc: {  	s20 =	sadd.s32 s5, s7;
	s7 =	sadd.s32 s3, s7;
	s21 =	sshrl.u32 s10, $0x3  }
0xd: {  	s8 =	sadd.s32 s0, s23;
	s24 =	sshrl.u32 s13, $0x3;
	s11 =	sshll.u32 s10, $0x4  }
0xe: {  	s25 =	sshrl.u32 s4, $0x3;
	s26 =	sshll.u32 s13, $0x4;
	s4 =	sshll.u32 s4, $0x4  }
0xf: {  	s16 =	smax.u32 s6, $0x1;
	s23 =	simm.s32 $0x4200;
	[dreg:$0x4] =	wrdreg s20  }
0x10: {  	[dreg:$0x5] =	wrdreg s7;
	s22 =	sadd.s32 s5, s21;
	s7 =	sadd.s32 s3, s21  }
0x11: {  	s9 =	sadd.s32 s5, s24;
	s10 =	sadd.s32 s3, s24;
	s11 =	sadd.s32 s0, s11  }
0x12: {  	s12 =	sadd.s32 s5, s25;
	s13 =	sadd.s32 s3, s25;
	s14 =	sadd.s32 s0, s26  }
0x13: {  	s15 =	sadd.s32 s0, s4;
	s20 =	simm.s32 $0x200;
	s21 =	simm.s32 $0x8200  }
0x14: {  	s24 =	simm.s32 $0xC200;
	s25 =	simm.s32 $0x1;
	s26 =	simm.s32 $0x2  }
0x15: {  	s0 =	simm.s32 $0x5;
	s3 =	simm.s32 $0x6;
	[dreg:$0x6] =	wrdreg s22  }
0x16: {  	s4 =	simm.s32 $0x0;
	[dreg:$0x7] =	wrdreg s7;
	s22 =	simm.s32 $0x180  }
.LBB2_1:
0x17: {  	s5 =	rddreg [dreg:$0x4]  }
0x18: {  	[tilespmem:s2], [sflag:$0x7] =	stream.linear.gather [hbm4b:s5+s2], $0x80, $0x38;
	[tilespmem:$0x18200] =	vst v63  }
0x19: {  	_ =	swait.ge [sflag:s17], $0x80  }
0x1a: {  	[sflag:s17] =	ssyncset.done $0x0  }
0x1b: {  	s7 =	rddreg [dreg:$0x5];
	[sflag:s17] =	ssyncadd.s32 $0xFFFFFF80  }
0x1c: {  	[tilespmem:s18], [sflag:$0x7] =	stream.linear.gather [hbm4b:s7+s2], $0x80, $0x38;
	[tilespmem:$0x18200] =	vst v63  }
0x1d: {  	_ =	swait.ge [sflag:s17], $0x80  }
0x1e: {  	[sflag:s17] =	ssyncset.done $0x0  }
0x1f: {  	[sflag:s17] =	ssyncadd.s32 $0xFFFFFF80  }
0x20: {  	[tilespmem:s20], [sflag:$0x1] =	stream.indirect.gather [hbm4b:s1+s19], $0x80, s2, s19, $0xb8;
	[tilespmem:$0x18200] =	vst v63  }
0x21: {  	_ = 	snop  }
0x22: {  	[tilespmem:s21], [sflag:$0x2] =	stream.indirect.gather [hbm4b:s1+s19], $0x80, s18, s19, $0xb8;
	[tilespmem:$0x18200] =	vst v63  }
0x23: {  	s6 =	rddreg [dreg:$0x6]  }
0x24: {  	[tilespmem:s19], [sflag:$0x7] =	stream.linear.gather [hbm4b:s6+s2], $0x80, $0x38;
	[tilespmem:$0x18200] =	vst v63  }
0x25: {  	_ =	swait.ge [sflag:s17], $0x80  }
0x26: {  	[sflag:s17] =	ssyncset.done $0x0  }
0x27: {  	s7 =	rddreg [dreg:$0x7];
	[sflag:s17] =	ssyncadd.s32 $0xFFFFFF80  }
0x28: {  	[tilespmem:s22], [sflag:$0x7] =	stream.linear.gather [hbm4b:s7+s2], $0x80, $0x38;
	[tilespmem:$0x18200] =	vst v63  }
0x29: {  	_ =	swait.ge [sflag:s17], $0x80  }
0x2a: {  	[sflag:s17] =	ssyncset.done $0x0  }
0x2b: {  	[sflag:s17] =	ssyncadd.s32 $0xFFFFFF80  }
0x2c: {  	[tilespmem:s23], [sflag:$0x3] =	stream.indirect.gather [hbm4b:s1+s19], $0x80, s19, s19, $0xb8;
	[tilespmem:$0x18200] =	vst v63  }
0x2d: {  	_ = 	snop  }
0x2e: {  	[tilespmem:s24], [sflag:$0x4] =	stream.indirect.gather [hbm4b:s1+s19], $0x80, s22, s19, $0xb8;
	[tilespmem:$0x18200] =	vst v63  }
0x2f: {  	_ =	swait.ge [sflag:s25], $0x4000  }
0x30: {  	[sflag:s25] =	ssyncset.done $0x0  }
0x31: {  	[sflag:s25] =	ssyncadd.s32 $0xFFFFC000  }
0x32: {  	_ =	swait.ge [sflag:s26], $0x4000  }
0x33: {  	[sflag:s26] =	ssyncset.done $0x0  }
0x34: {  	s5 =	simm.s32 $0x0;
	[sflag:s26] =	ssyncadd.s32 $0xFFFFC000  }
0x35: {  	v0 =	vld [tilespmem:s5+$0x270]  }
0x36: {  	v1 =	vld [tilespmem:s5+$0x8270]  }
0x37: {  	v2 =	vld [tilespmem:s5+$0x200]  }
0x38: {  	v3 =	vld [tilespmem:s5+$0x8200]  }
0x39: {  	v4 =	vld [tilespmem:s5+$0x210]  }
0x3a: {  	v5 =	vld [tilespmem:s5+$0x8210]  }
0x3b: {  	v6 =	vld [tilespmem:s5+$0x220]  }
0x3c: {  	v7 =	vld [tilespmem:s5+$0x230]  }
0x3d: {  	v0 =	vadd.f32 v1, v0;
	v1 =	vld [tilespmem:s5+$0x8220]  }
0x3e: {  	v8 =	vld [tilespmem:s5+$0x8230]  }
0x3f: {  	v9 =	vld [tilespmem:s5+$0x8240];
	v2 =	vadd.f32 v3, v2  }
0x40: {  	[tilespmem:s5+$0x10270] =	vst v0;
	v0 =	vadd.f32 v5, v4;
	v5 =	vld [tilespmem:s5+$0x240]  }
0x41: {  	v3 =	vld [tilespmem:s5+$0x8250];
	[tilespmem:s5+$0x10200] =	vst v2  }
0x42: {  	v2 =	vld [tilespmem:s5+$0x250];
	[tilespmem:s5+$0x10210] =	vst v0;
	v0 =	vadd.f32 v1, v6  }
0x43: {  	v4 =	vld [tilespmem:s5+$0x8260];
	v6 =	vadd.f32 v8, v7  }
0x44: {  	s6 =	simm.s32 $0x80;
	[tilespmem:s5+$0x10220] =	vst v0;
	v0 =	vld [tilespmem:s5+$0x260]  }
0x45: {  	s7 =	simm.s32 $0x400;
	v5 =	vadd.f32 v9, v5;
	v1 =	vld [tilespmem:s6+$0x270];
	[tilespmem:s5+$0x10230] =	vst v6  }
.LBB2_2:
0x46: {  	p0 =	sne.s32 s7, $0xFE00;
	v6 =	vld [tilespmem:s6+$0x8270]  }
0x47: {  	v7 =	vld [tilespmem:s6+$0x200];
	[tilespmem:s5+$0x10240] =	vst v5;
	v2 =	vadd.f32 v3, v2  }
0x48: {  	v3 =	vld [tilespmem:s6+$0x8200]  }
0x49: {  	v5 =	vld [tilespmem:s6+$0x210];
	[tilespmem:s5+$0x10250] =	vst v2;
	v0 =	vadd.f32 v4, v0  }
0x4a: {  	v2 =	vld [tilespmem:s6+$0x8210]  }
0x4b: {  	v4 =	vld [tilespmem:s6+$0x220];
	v1 =	vadd.f32 v6, v1;
	[tilespmem:s5+$0x10260] =	vst v0;
	s5 =	smov.u32 s6  }
0x4c: {  	v0 =	vld [tilespmem:s5+$0x8220]  }
0x4d: {  	v3 =	vadd.f32 v3, v7;
	v6 =	vld [tilespmem:s5+$0x230];
	[tilespmem:s5+$0x10270] =	vst v1  }
0x4e: {  	v1 =	vld [tilespmem:s5+$0x8230]  }
0x4f: {  	[tilespmem:s5+$0x10200] =	vst v3;
	v2 =	vadd.f32 v2, v5;
	v5 =	vld [tilespmem:s5+$0x240]  }
0x50: {  	v7 =	vld [tilespmem:s5+$0x8240]  }
.Ltmp0:
0x51: {  	[tilespmem:s5+$0x10210] =	vst v2;
	v0 =	vadd.f32 v0, v4;
	v2 =	vld [tilespmem:s5+$0x250];
	(pc) =	sbr.rel @p0 .LBB2_2-.Ltmp0, $4  }
0x52: {  	v3 =	vld [tilespmem:s5+$0x8250]  }
0x53: {  	[tilespmem:s5+$0x10220] =	vst v0;
	v6 =	vadd.f32 v1, v6;
	v0 =	vld [tilespmem:s5+$0x260]  }
0x54: {  	s6 =	sshra.s32 s7, $0x2;
	v4 =	vld [tilespmem:s5+$0x8260]  }
0x55: {  	s7 =	sadd.s32 $0x200, s7;
	v1 =	vld [tilespmem:s6+$0x270];
	[tilespmem:s5+$0x10230] =	vst v6;
	v5 =	vadd.f32 v7, v5  }
0x56: {  	v6 =	vld [tilespmem:s6+$0x8270]  }
0x57: {  	v7 =	vld [tilespmem:s6+$0x200];
	[tilespmem:s5+$0x10240] =	vst v5;
	v2 =	vadd.f32 v3, v2  }
0x58: {  	v3 =	vld [tilespmem:s6+$0x8200]  }
0x59: {  	v5 =	vld [tilespmem:s6+$0x210];
	[tilespmem:s5+$0x10250] =	vst v2;
	v0 =	vadd.f32 v4, v0  }
0x5a: {  	v2 =	vld [tilespmem:s6+$0x8210]  }
0x5b: {  	v4 =	vld [tilespmem:s6+$0x220];
	[tilespmem:s5+$0x10260] =	vst v0  }
0x5c: {  	v0 =	vadd.f32 v6, v1;
	v1 =	vld [tilespmem:s6+$0x8220]  }
0x5d: {  	v6 =	vld [tilespmem:s6+$0x230]  }
0x5e: {  	v3 =	vadd.f32 v3, v7;
	[tilespmem:s6+$0x10270] =	vst v0;
	v0 =	vld [tilespmem:s6+$0x8230]  }
0x5f: {  	v7 =	vld [tilespmem:s6+$0x8260]  }
0x60: {  	[tilespmem:s6+$0x10200] =	vst v3;
	v2 =	vadd.f32 v2, v5;
	v3 =	vld [tilespmem:s6+$0x240]  }
0x61: {  	v5 =	vld [tilespmem:s6+$0x8240]  }
0x62: {  	[tilespmem:s6+$0x10210] =	vst v2;
	v1 =	vadd.f32 v1, v4;
	v2 =	vld [tilespmem:s6+$0x250]  }
0x63: {  	v4 =	vld [tilespmem:s6+$0x8250]  }
0x64: {  	[tilespmem:s6+$0x10220] =	vst v1;
	v1 =	vld [tilespmem:s6+$0x260];
	_ =	sdelay $0x1  }
0x65: {  	v0 =	vadd.f32 v0, v6  }
0x66: {  	v3 =	vadd.f32 v5, v3  }
0x67: {  	[tilespmem:s6+$0x10230] =	vst v0;
	v0 =	vadd.f32 v4, v2  }
0x68: {  	[tilespmem:s6+$0x10240] =	vst v3;
	v1 =	vadd.f32 v7, v1  }
0x69: {  	[tilespmem:s6+$0x10250] =	vst v0  }
0x6a: {  	s7 =	simm.s32 $0x0;
	[tilespmem:s6+$0x10260] =	vst v1  }
0x6b: {  	[hbm4b:s8+s7] =	stream.linear.scatter [tilespmem:s28], [sflag:$0x5], $0x4000, $0x38;
	[tilespmem:$0x18200] =	vst v63  }
0x6c: {  	_ = 	snop  }
0x6d: {  	[tilespmem:s7], [sflag:$0x7] =	stream.linear.gather [hbm4b:s9+s7], $0x80, $0x38;
	[tilespmem:$0x18200] =	vst v63  }
0x6e: {  	_ =	swait.ge [sflag:s17], $0x80  }
0x6f: {  	[sflag:s17] =	ssyncset.done $0x0  }
0x70: {  	[sflag:s17] =	ssyncadd.s32 $0xFFFFFF80  }
0x71: {  	[tilespmem:s18], [sflag:$0x7] =	stream.linear.gather [hbm4b:s10+s7], $0x80, $0x38;
	[tilespmem:$0x18200] =	vst v63  }
0x72: {  	_ =	swait.ge [sflag:s17], $0x80  }
0x73: {  	[sflag:s17] =	ssyncset.done $0x0  }
0x74: {  	[sflag:s17] =	ssyncadd.s32 $0xFFFFFF80  }
0x75: {  	[tilespmem:s20], [sflag:$0x1] =	stream.indirect.gather [hbm4b:s1+s19], $0x80, s7, s19, $0xb8;
	[tilespmem:$0x18200] =	vst v63  }
0x76: {  	_ = 	snop  }
0x77: {  	[tilespmem:s21], [sflag:$0x2] =	stream.indirect.gather [hbm4b:s1+s19], $0x80, s18, s19, $0xb8;
	[tilespmem:$0x18200] =	vst v63  }
0x78: {  	_ =	swait.ge [sflag:s29], $0x4000  }
0x79: {  	[sflag:s29] =	ssyncset.done $0x0  }
0x7a: {  	[sflag:s29] =	ssyncadd.s32 $0xFFFFC000  }
0x7b: {  	_ =	swait.ge [sflag:s30], $0x4000  }
0x7c: {  	[sflag:s30] =	ssyncset.done $0x0  }
0x7d: {  	s5 =	simm.s32 $0x0;
	[sflag:s30] =	ssyncadd.s32 $0xFFFFC000  }
0x7e: {  	v0 =	vld [tilespmem:s5+$0x4270]  }
0x7f: {  	v1 =	vld [tilespmem:s5+$0xC270]  }
0x80: {  	v2 =	vld [tilespmem:s5+$0x4200]  }
0x81: {  	v3 =	vld [tilespmem:s5+$0xC200]  }
0x82: {  	v4 =	vld [tilespmem:s5+$0x4210]  }
0x83: {  	v5 =	vld [tilespmem:s5+$0xC210]  }
0x84: {  	v6 =	vld [tilespmem:s5+$0x4220]  }
0x85: {  	v7 =	vld [tilespmem:s5+$0x4230]  }
0x86: {  	v0 =	vadd.f32 v1, v0;
	v1 =	vld [tilespmem:s5+$0xC220]  }
0x87: {  	v8 =	vld [tilespmem:s5+$0xC230]  }
0x88: {  	v9 =	vld [tilespmem:s5+$0xC240];
	v2 =	vadd.f32 v3, v2  }
0x89: {  	[tilespmem:s5+$0x14270] =	vst v0;
	v0 =	vadd.f32 v5, v4;
	v5 =	vld [tilespmem:s5+$0x4240]  }
0x8a: {  	v3 =	vld [tilespmem:s5+$0xC250];
	[tilespmem:s5+$0x14200] =	vst v2  }
0x8b: {  	v2 =	vld [tilespmem:s5+$0x4250];
	[tilespmem:s5+$0x14210] =	vst v0;
	v0 =	vadd.f32 v1, v6  }
0x8c: {  	v4 =	vld [tilespmem:s5+$0xC260];
	v6 =	vadd.f32 v8, v7  }
0x8d: {  	s6 =	simm.s32 $0x80;
	[tilespmem:s5+$0x14220] =	vst v0;
	v0 =	vld [tilespmem:s5+$0x4260]  }
0x8e: {  	s7 =	simm.s32 $0x400;
	v5 =	vadd.f32 v9, v5;
	v1 =	vld [tilespmem:s6+$0x4270];
	[tilespmem:s5+$0x14230] =	vst v6  }
.LBB2_4:
0x8f: {  	p0 =	sne.s32 s7, $0xFE00;
	v6 =	vld [tilespmem:s6+$0xC270]  }
0x90: {  	v7 =	vld [tilespmem:s6+$0x4200];
	[tilespmem:s5+$0x14240] =	vst v5;
	v2 =	vadd.f32 v3, v2  }
0x91: {  	v3 =	vld [tilespmem:s6+$0xC200]  }
0x92: {  	v5 =	vld [tilespmem:s6+$0x4210];
	[tilespmem:s5+$0x14250] =	vst v2;
	v0 =	vadd.f32 v4, v0  }
0x93: {  	v2 =	vld [tilespmem:s6+$0xC210]  }
0x94: {  	v4 =	vld [tilespmem:s6+$0x4220];
	v1 =	vadd.f32 v6, v1;
	[tilespmem:s5+$0x14260] =	vst v0;
	s5 =	smov.u32 s6  }
0x95: {  	v0 =	vld [tilespmem:s5+$0xC220]  }
0x96: {  	v3 =	vadd.f32 v3, v7;
	v6 =	vld [tilespmem:s5+$0x4230];
	[tilespmem:s5+$0x14270] =	vst v1  }
0x97: {  	v1 =	vld [tilespmem:s5+$0xC230]  }
0x98: {  	[tilespmem:s5+$0x14200] =	vst v3;
	v2 =	vadd.f32 v2, v5;
	v5 =	vld [tilespmem:s5+$0x4240]  }
0x99: {  	v7 =	vld [tilespmem:s5+$0xC240]  }
.Ltmp1:
0x9a: {  	[tilespmem:s5+$0x14210] =	vst v2;
	v0 =	vadd.f32 v0, v4;
	v2 =	vld [tilespmem:s5+$0x4250];
	(pc) =	sbr.rel @p0 .LBB2_4-.Ltmp1, $4  }
0x9b: {  	v3 =	vld [tilespmem:s5+$0xC250]  }
0x9c: {  	[tilespmem:s5+$0x14220] =	vst v0;
	v6 =	vadd.f32 v1, v6;
	v0 =	vld [tilespmem:s5+$0x4260]  }
0x9d: {  	s6 =	sshra.s32 s7, $0x2;
	v4 =	vld [tilespmem:s5+$0xC260]  }
0x9e: {  	s7 =	sadd.s32 $0x200, s7;
	v1 =	vld [tilespmem:s6+$0x4270];
	[tilespmem:s5+$0x14230] =	vst v6;
	v5 =	vadd.f32 v7, v5  }
0x9f: {  	v6 =	vld [tilespmem:s6+$0xC270]  }
0xa0: {  	v7 =	vld [tilespmem:s6+$0x4200];
	[tilespmem:s5+$0x14240] =	vst v5;
	v2 =	vadd.f32 v3, v2  }
0xa1: {  	v3 =	vld [tilespmem:s6+$0xC200]  }
0xa2: {  	v5 =	vld [tilespmem:s6+$0x4210];
	[tilespmem:s5+$0x14250] =	vst v2;
	v0 =	vadd.f32 v4, v0  }
0xa3: {  	v2 =	vld [tilespmem:s6+$0xC210]  }
0xa4: {  	v4 =	vld [tilespmem:s6+$0x4220];
	[tilespmem:s5+$0x14260] =	vst v0  }
0xa5: {  	v0 =	vadd.f32 v6, v1;
	v1 =	vld [tilespmem:s6+$0xC220]  }
0xa6: {  	v6 =	vld [tilespmem:s6+$0x4230]  }
0xa7: {  	v3 =	vadd.f32 v3, v7;
	[tilespmem:s6+$0x14270] =	vst v0;
	v0 =	vld [tilespmem:s6+$0xC230]  }
0xa8: {  	v7 =	vld [tilespmem:s6+$0xC260]  }
0xa9: {  	[tilespmem:s6+$0x14200] =	vst v3;
	v2 =	vadd.f32 v2, v5;
	v3 =	vld [tilespmem:s6+$0x4240]  }
0xaa: {  	v5 =	vld [tilespmem:s6+$0xC240]  }
0xab: {  	[tilespmem:s6+$0x14210] =	vst v2;
	v1 =	vadd.f32 v1, v4;
	v2 =	vld [tilespmem:s6+$0x4250]  }
0xac: {  	v4 =	vld [tilespmem:s6+$0xC250]  }
0xad: {  	[tilespmem:s6+$0x14220] =	vst v1;
	v1 =	vld [tilespmem:s6+$0x4260];
	_ =	sdelay $0x1  }
0xae: {  	v0 =	vadd.f32 v0, v6  }
0xaf: {  	v3 =	vadd.f32 v5, v3  }
0xb0: {  	[tilespmem:s6+$0x14230] =	vst v0;
	v0 =	vadd.f32 v4, v2  }
0xb1: {  	[tilespmem:s6+$0x14240] =	vst v3;
	v1 =	vadd.f32 v7, v1  }
0xb2: {  	[tilespmem:s6+$0x14250] =	vst v0  }
0xb3: {  	s7 =	simm.s32 $0x0;
	[tilespmem:s6+$0x14260] =	vst v1  }
0xb4: {  	[hbm4b:s11+s7] =	stream.linear.scatter [tilespmem:s31], [sflag:$0x6], $0x4000, $0x38;
	[tilespmem:$0x18200] =	vst v63  }
0xb5: {  	_ = 	snop  }
0xb6: {  	[tilespmem:s19], [sflag:$0x7] =	stream.linear.gather [hbm4b:s12+s7], $0x80, $0x38;
	[tilespmem:$0x18200] =	vst v63  }
0xb7: {  	_ =	swait.ge [sflag:s17], $0x80  }
0xb8: {  	[sflag:s17] =	ssyncset.done $0x0  }
0xb9: {  	[sflag:s17] =	ssyncadd.s32 $0xFFFFFF80  }
0xba: {  	[tilespmem:s22], [sflag:$0x7] =	stream.linear.gather [hbm4b:s13+s7], $0x80, $0x38;
	[tilespmem:$0x18200] =	vst v63  }
0xbb: {  	_ =	swait.ge [sflag:s17], $0x80  }
0xbc: {  	[sflag:s17] =	ssyncset.done $0x0  }
0xbd: {  	[sflag:s17] =	ssyncadd.s32 $0xFFFFFF80  }
0xbe: {  	[tilespmem:s23], [sflag:$0x3] =	stream.indirect.gather [hbm4b:s1+s19], $0x80, s19, s19, $0xb8;
	[tilespmem:$0x18200] =	vst v63  }
0xbf: {  	_ = 	snop  }
0xc0: {  	[tilespmem:s24], [sflag:$0x4] =	stream.indirect.gather [hbm4b:s1+s19], $0x80, s22, s19, $0xb8;
	[tilespmem:$0x18200] =	vst v63  }
0xc1: {  	_ =	swait.ge [sflag:s25], $0x4000  }
0xc2: {  	[sflag:s25] =	ssyncset.done $0x0  }
0xc3: {  	[sflag:s25] =	ssyncadd.s32 $0xFFFFC000  }
0xc4: {  	_ =	swait.ge [sflag:s26], $0x4000  }
0xc5: {  	[sflag:s26] =	ssyncset.done $0x0  }
0xc6: {  	[sflag:s26] =	ssyncadd.s32 $0xFFFFC000  }
0xc7: {  	_ =	swait.ge [sflag:s0], $0x4000  }
0xc8: {  	[sflag:s0] =	ssyncset.done $0x0  }
0xc9: {  	s5 =	simm.s32 $0x0;
	[sflag:s0] =	ssyncadd.s32 $0xFFFFC000  }
0xca: {  	v0 =	vld [tilespmem:s5+$0x270]  }
0xcb: {  	v1 =	vld [tilespmem:s5+$0x8270]  }
0xcc: {  	v2 =	vld [tilespmem:s5+$0x200]  }
0xcd: {  	v3 =	vld [tilespmem:s5+$0x8200]  }
0xce: {  	v4 =	vld [tilespmem:s5+$0x210]  }
0xcf: {  	v5 =	vld [tilespmem:s5+$0x8210]  }
0xd0: {  	v6 =	vld [tilespmem:s5+$0x220]  }
0xd1: {  	v7 =	vld [tilespmem:s5+$0x230]  }
0xd2: {  	v0 =	vadd.f32 v1, v0;
	v1 =	vld [tilespmem:s5+$0x8220]  }
0xd3: {  	v8 =	vld [tilespmem:s5+$0x8230]  }
0xd4: {  	v9 =	vld [tilespmem:s5+$0x8240];
	v2 =	vadd.f32 v3, v2  }
0xd5: {  	[tilespmem:s5+$0x10270] =	vst v0;
	v0 =	vadd.f32 v5, v4;
	v5 =	vld [tilespmem:s5+$0x240]  }
0xd6: {  	v3 =	vld [tilespmem:s5+$0x8250];
	[tilespmem:s5+$0x10200] =	vst v2  }
0xd7: {  	v2 =	vld [tilespmem:s5+$0x250];
	[tilespmem:s5+$0x10210] =	vst v0;
	v0 =	vadd.f32 v1, v6  }
0xd8: {  	v4 =	vld [tilespmem:s5+$0x8260];
	v6 =	vadd.f32 v8, v7  }
0xd9: {  	s6 =	simm.s32 $0x80;
	[tilespmem:s5+$0x10220] =	vst v0;
	v0 =	vld [tilespmem:s5+$0x260]  }
0xda: {  	s7 =	simm.s32 $0x400;
	v5 =	vadd.f32 v9, v5;
	v1 =	vld [tilespmem:s6+$0x270];
	[tilespmem:s5+$0x10230] =	vst v6  }
.LBB2_6:
0xdb: {  	p0 =	sne.s32 s7, $0xFE00;
	v6 =	vld [tilespmem:s6+$0x8270]  }
0xdc: {  	v7 =	vld [tilespmem:s6+$0x200];
	[tilespmem:s5+$0x10240] =	vst v5;
	v2 =	vadd.f32 v3, v2  }
0xdd: {  	v3 =	vld [tilespmem:s6+$0x8200]  }
0xde: {  	v5 =	vld [tilespmem:s6+$0x210];
	[tilespmem:s5+$0x10250] =	vst v2;
	v0 =	vadd.f32 v4, v0  }
0xdf: {  	v2 =	vld [tilespmem:s6+$0x8210]  }
0xe0: {  	v4 =	vld [tilespmem:s6+$0x220];
	v1 =	vadd.f32 v6, v1;
	[tilespmem:s5+$0x10260] =	vst v0;
	s5 =	smov.u32 s6  }
0xe1: {  	v0 =	vld [tilespmem:s5+$0x8220]  }
0xe2: {  	v3 =	vadd.f32 v3, v7;
	v6 =	vld [tilespmem:s5+$0x230];
	[tilespmem:s5+$0x10270] =	vst v1  }
0xe3: {  	v1 =	vld [tilespmem:s5+$0x8230]  }
0xe4: {  	[tilespmem:s5+$0x10200] =	vst v3;
	v2 =	vadd.f32 v2, v5;
	v5 =	vld [tilespmem:s5+$0x240]  }
0xe5: {  	v7 =	vld [tilespmem:s5+$0x8240]  }
.Ltmp2:
0xe6: {  	[tilespmem:s5+$0x10210] =	vst v2;
	v0 =	vadd.f32 v0, v4;
	v2 =	vld [tilespmem:s5+$0x250];
	(pc) =	sbr.rel @p0 .LBB2_6-.Ltmp2, $4  }
0xe7: {  	v3 =	vld [tilespmem:s5+$0x8250]  }
0xe8: {  	[tilespmem:s5+$0x10220] =	vst v0;
	v6 =	vadd.f32 v1, v6;
	v0 =	vld [tilespmem:s5+$0x260]  }
0xe9: {  	s6 =	sshra.s32 s7, $0x2;
	v4 =	vld [tilespmem:s5+$0x8260]  }
0xea: {  	s7 =	sadd.s32 $0x200, s7;
	v1 =	vld [tilespmem:s6+$0x270];
	[tilespmem:s5+$0x10230] =	vst v6;
	v5 =	vadd.f32 v7, v5  }
0xeb: {  	v6 =	vld [tilespmem:s6+$0x8270]  }
0xec: {  	v7 =	vld [tilespmem:s6+$0x200];
	[tilespmem:s5+$0x10240] =	vst v5;
	v2 =	vadd.f32 v3, v2  }
0xed: {  	v3 =	vld [tilespmem:s6+$0x8200]  }
0xee: {  	v5 =	vld [tilespmem:s6+$0x210];
	[tilespmem:s5+$0x10250] =	vst v2;
	v0 =	vadd.f32 v4, v0  }
0xef: {  	v2 =	vld [tilespmem:s6+$0x8210]  }
0xf0: {  	v4 =	vld [tilespmem:s6+$0x220];
	[tilespmem:s5+$0x10260] =	vst v0  }
0xf1: {  	v0 =	vadd.f32 v6, v1;
	v1 =	vld [tilespmem:s6+$0x8220]  }
0xf2: {  	v6 =	vld [tilespmem:s6+$0x230]  }
0xf3: {  	v3 =	vadd.f32 v3, v7;
	[tilespmem:s6+$0x10270] =	vst v0;
	v0 =	vld [tilespmem:s6+$0x8230]  }
0xf4: {  	v7 =	vld [tilespmem:s6+$0x8260]  }
0xf5: {  	[tilespmem:s6+$0x10200] =	vst v3;
	v2 =	vadd.f32 v2, v5;
	v3 =	vld [tilespmem:s6+$0x240]  }
0xf6: {  	v5 =	vld [tilespmem:s6+$0x8240]  }
0xf7: {  	[tilespmem:s6+$0x10210] =	vst v2;
	v1 =	vadd.f32 v1, v4;
	v2 =	vld [tilespmem:s6+$0x250]  }
0xf8: {  	v4 =	vld [tilespmem:s6+$0x8250]  }
0xf9: {  	[tilespmem:s6+$0x10220] =	vst v1;
	v1 =	vld [tilespmem:s6+$0x260];
	_ =	sdelay $0x1  }
0xfa: {  	v0 =	vadd.f32 v0, v6  }
0xfb: {  	v3 =	vadd.f32 v5, v3  }
0xfc: {  	[tilespmem:s6+$0x10230] =	vst v0;
	v0 =	vadd.f32 v4, v2  }
0xfd: {  	[tilespmem:s6+$0x10240] =	vst v3;
	v1 =	vadd.f32 v7, v1  }
0xfe: {  	[tilespmem:s6+$0x10250] =	vst v0  }
0xff: {  	s7 =	simm.s32 $0x0;
	[tilespmem:s6+$0x10260] =	vst v1  }
0x100: {  	[hbm4b:s14+s7] =	stream.linear.scatter [tilespmem:s28], [sflag:$0x5], $0x4000, $0x38;
	[tilespmem:$0x18200] =	vst v63  }
0x101: {  	_ =	swait.ge [sflag:s29], $0x4000  }
0x102: {  	[sflag:s29] =	ssyncset.done $0x0  }
0x103: {  	[sflag:s29] =	ssyncadd.s32 $0xFFFFC000  }
0x104: {  	_ =	swait.ge [sflag:s30], $0x4000  }
0x105: {  	[sflag:s30] =	ssyncset.done $0x0  }
0x106: {  	[sflag:s30] =	ssyncadd.s32 $0xFFFFC000  }
0x107: {  	_ =	swait.ge [sflag:s3], $0x4000  }
0x108: {  	[sflag:s3] =	ssyncset.done $0x0  }
0x109: {  	s5 =	simm.s32 $0x0;
	[sflag:s3] =	ssyncadd.s32 $0xFFFFC000  }
0x10a: {  	v0 =	vld [tilespmem:s5+$0x4270]  }
0x10b: {  	v1 =	vld [tilespmem:s5+$0xC270]  }
0x10c: {  	v2 =	vld [tilespmem:s5+$0x4200]  }
0x10d: {  	v3 =	vld [tilespmem:s5+$0xC200]  }
0x10e: {  	v4 =	vld [tilespmem:s5+$0x4210]  }
0x10f: {  	v5 =	vld [tilespmem:s5+$0xC210]  }
0x110: {  	v6 =	vld [tilespmem:s5+$0x4220]  }
0x111: {  	v7 =	vld [tilespmem:s5+$0x4230]  }
0x112: {  	v0 =	vadd.f32 v1, v0;
	v1 =	vld [tilespmem:s5+$0xC220]  }
0x113: {  	v8 =	vld [tilespmem:s5+$0xC230]  }
0x114: {  	v9 =	vld [tilespmem:s5+$0xC240];
	v2 =	vadd.f32 v3, v2  }
0x115: {  	[tilespmem:s5+$0x14270] =	vst v0;
	v0 =	vadd.f32 v5, v4;
	v5 =	vld [tilespmem:s5+$0x4240]  }
0x116: {  	v3 =	vld [tilespmem:s5+$0xC250];
	[tilespmem:s5+$0x14200] =	vst v2  }
0x117: {  	v2 =	vld [tilespmem:s5+$0x4250];
	[tilespmem:s5+$0x14210] =	vst v0;
	v0 =	vadd.f32 v1, v6  }
0x118: {  	v4 =	vld [tilespmem:s5+$0xC260];
	v6 =	vadd.f32 v8, v7  }
0x119: {  	s6 =	simm.s32 $0x80;
	[tilespmem:s5+$0x14220] =	vst v0;
	v0 =	vld [tilespmem:s5+$0x4260]  }
0x11a: {  	s7 =	simm.s32 $0x400;
	v5 =	vadd.f32 v9, v5;
	v1 =	vld [tilespmem:s6+$0x4270];
	[tilespmem:s5+$0x14230] =	vst v6  }
.LBB2_8:
0x11b: {  	p0 =	sne.s32 s7, $0xFE00;
	v6 =	vld [tilespmem:s6+$0xC270]  }
0x11c: {  	v7 =	vld [tilespmem:s6+$0x4200];
	[tilespmem:s5+$0x14240] =	vst v5;
	v2 =	vadd.f32 v3, v2  }
0x11d: {  	v3 =	vld [tilespmem:s6+$0xC200]  }
0x11e: {  	v5 =	vld [tilespmem:s6+$0x4210];
	[tilespmem:s5+$0x14250] =	vst v2;
	v0 =	vadd.f32 v4, v0  }
0x11f: {  	v2 =	vld [tilespmem:s6+$0xC210]  }
0x120: {  	v4 =	vld [tilespmem:s6+$0x4220];
	v1 =	vadd.f32 v6, v1;
	[tilespmem:s5+$0x14260] =	vst v0;
	s5 =	smov.u32 s6  }
0x121: {  	v0 =	vld [tilespmem:s5+$0xC220]  }
0x122: {  	v3 =	vadd.f32 v3, v7;
	v6 =	vld [tilespmem:s5+$0x4230];
	[tilespmem:s5+$0x14270] =	vst v1  }
0x123: {  	v1 =	vld [tilespmem:s5+$0xC230]  }
0x124: {  	[tilespmem:s5+$0x14200] =	vst v3;
	v2 =	vadd.f32 v2, v5;
	v5 =	vld [tilespmem:s5+$0x4240]  }
0x125: {  	v7 =	vld [tilespmem:s5+$0xC240]  }
.Ltmp3:
0x126: {  	[tilespmem:s5+$0x14210] =	vst v2;
	v0 =	vadd.f32 v0, v4;
	v2 =	vld [tilespmem:s5+$0x4250];
	(pc) =	sbr.rel @p0 .LBB2_8-.Ltmp3, $4  }
0x127: {  	v3 =	vld [tilespmem:s5+$0xC250]  }
0x128: {  	[tilespmem:s5+$0x14220] =	vst v0;
	v6 =	vadd.f32 v1, v6;
	v0 =	vld [tilespmem:s5+$0x4260]  }
0x129: {  	s6 =	sshra.s32 s7, $0x2;
	v4 =	vld [tilespmem:s5+$0xC260]  }
0x12a: {  	s7 =	sadd.s32 $0x200, s7;
	v1 =	vld [tilespmem:s6+$0x4270];
	[tilespmem:s5+$0x14230] =	vst v6;
	v5 =	vadd.f32 v7, v5  }
0x12b: {  	v6 =	vld [tilespmem:s6+$0xC270]  }
0x12c: {  	v7 =	vld [tilespmem:s6+$0x4200];
	[tilespmem:s5+$0x14240] =	vst v5;
	v2 =	vadd.f32 v3, v2  }
0x12d: {  	v51 =	vld [tilespmem:s6+$0xC200]  }
0x12e: {  	v5 =	vld [tilespmem:s6+$0x4210];
	[tilespmem:s5+$0x14250] =	vst v2;
	v0 =	vadd.f32 v4, v0  }
0x12f: {  	v2 =	vld [tilespmem:s6+$0xC210]  }
0x130: {  	v52 =	vld [tilespmem:s6+$0x4220];
	[tilespmem:s5+$0x14260] =	vst v0  }
0x131: {  	v54 =	vld [tilespmem:s6+$0xC220]  }
0x132: {  	v55 =	vld [tilespmem:s6+$0x4230]  }
0x133: {  	v56 =	vld [tilespmem:s6+$0xC230]  }
0x134: {  	v57 =	vld [tilespmem:s6+$0x4240]  }
0x135: {  	v58 =	vld [tilespmem:s6+$0xC240]  }
0x136: {  	v59 =	vld [tilespmem:s6+$0x4250]  }
0x137: {  	v53 =	vadd.f32 v6, v1;
	v60 =	vld [tilespmem:s6+$0xC250]  }
0x138: {  	v61 =	vld [tilespmem:s6+$0x4260];
	v3 =	vadd.f32 v51, v7  }
0x139: {  	v62 =	vld [tilespmem:s6+$0xC260];
	[tilespmem:s6+$0x14270] =	vst v53;
	v2 =	vadd.f32 v2, v5  }
0x13a: {  	[tilespmem:s6+$0x14200] =	vst v3;
	v1 =	vadd.f32 v54, v52  }
0x13b: {  	[tilespmem:s6+$0x14210] =	vst v2;
	v0 =	vadd.f32 v56, v55  }
0x13c: {  	v3 =	vadd.f32 v58, v57;
	[tilespmem:s6+$0x14220] =	vst v1  }
0x13d: {  	v63 =	vadd.f32 v60, v59;
	[tilespmem:s6+$0x14230] =	vst v0  }
0x13e: {  	[tilespmem:s6+$0x14240] =	vst v3;
	v1 =	vadd.f32 v62, v61  }
0x13f: {  	[tilespmem:s6+$0x14250] =	vst v63  }
0x140: {  	s4 =	sadd.s32 $0x1, s4;
	[tilespmem:s6+$0x14260] =	vst v1  }
0x141: {  	[hbm4b:s15+s2] =	stream.linear.scatter [tilespmem:s31], [sflag:$0x6], $0x4000, $0x38;
	[tilespmem:$0x18200] =	vst v63  }
0x142: {  	p0 =	sne.s32 s4, s16;
	_ =	swait.ge [sflag:s0], $0x4000  }
.Ltmp4:
0x143: {  	[sflag:s0] =	ssyncset.done $0x0;
	(pc) =	sbr.rel @p0 .LBB2_1-.Ltmp4, $4  }
0x144: {  	[sflag:s0] =	ssyncadd.s32 $0xFFFFC000  }
0x145: {  	_ =	swait.ge [sflag:s3], $0x4000  }
0x146: {  	[sflag:s3] =	ssyncset.done $0x0  }
0x147: {  	[sflag:s3] =	ssyncadd.s32 $0xFFFFC000  }
0x148: {  	_ =	sfence.sel $0x180000  }
0x149: {  	[bflag:$0x0] =	sbarrier.arrive $0xFFFF  }
0x14a: {  	_ =	strace $0x90000047  }
0x14b: {  	s0 =	stileid.u32;
	[bflag:$0x2] =	sbarrier.arrive $0xFFFF  }
0x14c: {  	p0 =	sne.s32 s0, $0x0;
	s0 =	rddreg [dreg:$0x3]  }
0x14d: {  	s0 =	sadd.s32 @!p0 $0x100000, s0  }
0x14e: {  	[sflag:s0] =	ssyncadd.tile.s32 @!p0 $0x1;
	_ =	shalt  }
.Lfunc_end2:
_tile_overlayer_lowered:
.L_overlay_start_2:
0x14f: {  	(tag) =	ssettag $0x2  }
0x150: {  	s0 =	rddreg [dreg:$0x0];
	s2 =	stileid.u32  }
0x151: {  	s1 =	rddreg [dreg:$0x1];
	p0 =	sne.s32 s2, $0x0  }
0x152: {  	s3 =	rddreg [dreg:$0x2];
	[bflag:$0x3] =	sbarrier.arrive $0xFFFF;
	s2 =	simm.s32 @!p0 $0x1C07  }
0x153: {  	[timem:s3], [sflag:s2] =	dma.local @!p0 [hbm:s0], s1  }
0x154: {  	s0 =	simm.s32 @!p0 $0x7  }
0x155: {  	_ =	swait.ge @!p0 [sflag:s0], s1  }
0x156: {  	s1 =	ssub.s32 @!p0 $0x0, s1;
	[sflag:s0] =	ssyncset.done @!p0 $0x0  }
0x157: {  	[sflag:s0] =	ssyncadd.s32 @!p0 s1  }
0x158: {  	[bflag:$0x3] =	sbarrier.arrive $0xFFFF  }
0x159: {  	_ =	shalt  }

</sc_bundles>
